<compile_context>
chip_gen: v7x
topology: tpu7x:2x2x1
jax: 0.10.2.dev20260603
libtpu: 0.0.44.dev20260713+nightly
codegen_flags: <defaults>
</compile_context>

<pallas_src>
import functools

import jax
import jax.numpy as jnp
from jax import lax
from jax.experimental import pallas as pl
from jax.experimental.pallas import tpu as pltpu
from jax.experimental.pallas import tpu_sc as plsc

B, N, G, K = 8, 8192, 512, 32
Gb = 128


def _fps_body(x_ref, y_ref, z_ref, iotag_ref, ci_ref, cx_ref, cy_ref,
              cz_ref):
    x = x_ref[...]
    y = y_ref[...]
    z = z_ref[...]
    iota = lax.broadcasted_iota(jnp.int32, (B, N), 1)
    iota_g = iotag_ref[...]

    def step(i, carry):
        dists, far, ci_a, cx_a, cy_a, cz_a = carry
        sel_f = (iota_g == i).astype(jnp.float32)
        sel_i = (iota_g == i).astype(jnp.int32)
        ci_a = ci_a + sel_i * jnp.broadcast_to(far, (B, G))
        onehot = iota == far
        cx = jnp.sum(jnp.where(onehot, x, 0.0), axis=1, keepdims=True)
        cy = jnp.sum(jnp.where(onehot, y, 0.0), axis=1, keepdims=True)
        cz = jnp.sum(jnp.where(onehot, z, 0.0), axis=1, keepdims=True)
        cx_a = cx_a + sel_f * jnp.broadcast_to(cx, (B, G))
        cy_a = cy_a + sel_f * jnp.broadcast_to(cy, (B, G))
        cz_a = cz_a + sel_f * jnp.broadcast_to(cz, (B, G))
        dx = x - cx
        dy = y - cy
        dz = z - cz
        d = dx * dx + dy * dy + dz * dz
        dists = jnp.minimum(dists, d)
        m = jnp.max(dists, axis=1, keepdims=True)
        far = jnp.min(jnp.where(dists == m, iota, N), axis=1, keepdims=True)
        return dists, far, ci_a, cx_a, cy_a, cz_a

    dists0 = jnp.full((B, N), 1e10, dtype=jnp.float32)
    far0 = jnp.zeros((B, 1), dtype=jnp.int32)
    zg = jnp.zeros((B, G), dtype=jnp.float32)
    _, _, ci_a, cx_a, cy_a, cz_a = lax.fori_loop(
        0, G, step, (dists0, far0, jnp.zeros((B, G), jnp.int32), zg, zg, zg))
    ci_ref[...] = ci_a
    cx_ref[...] = cx_a
    cy_ref[...] = cy_a
    cz_ref[...] = cz_a


def _run_fps(x, y, z):
    iotag = jnp.broadcast_to(jnp.arange(G, dtype=jnp.int32)[None, :], (B, G))
    return pl.pallas_call(
        _fps_body,
        out_shape=(
            jax.ShapeDtypeStruct((B, G), jnp.int32),
            jax.ShapeDtypeStruct((B, G), jnp.float32),
            jax.ShapeDtypeStruct((B, G), jnp.float32),
            jax.ShapeDtypeStruct((B, G), jnp.float32),
        ),
    )(x, y, z, iotag)


def _knn_body(neg_ref, idx_ref, d_ref):
    d_ref[...] = neg_ref[0]
    iota = lax.broadcasted_iota(jnp.int32, (Gb, N), 1)

    rows = []
    for _ in range(K):
        d = d_ref[...]
        m = jnp.max(d, axis=1, keepdims=True)
        nstar = jnp.max(jnp.where(d == m, iota, -1), axis=1).astype(jnp.int32)
        d_ref[...] = jnp.where(iota == nstar[:, None], -jnp.inf, d)
        rows.append(nstar[None, :])
    idx_ref[0] = jnp.concatenate(rows, axis=0)


def _run_knn(negsq):
    return pl.pallas_call(
        _knn_body,
        grid=(B, G // Gb),
        in_specs=[
            pl.BlockSpec((1, Gb, N), lambda b, g: (b, g, 0)),
        ],
        out_specs=pl.BlockSpec((1, K, Gb), lambda b, g: (b, 0, g)),
        out_shape=jax.ShapeDtypeStruct((B, K, G), jnp.int32),
        scratch_shapes=[pltpu.VMEM((Gb, N), jnp.float32)],
    )(negsq)


_ROWS_PER_W = (B * G) // 32
_G_PER_W = _ROWS_PER_W


_EPW = _ROWS_PER_W * K
_ICH = 128
_NCH = _EPW // _ICH


def _gather_body(idx_hbm, p_hbm, c_hbm, out_hbm, idxv, rowsv, crepv):
    info = plsc.get_sparse_core_info()
    nc = info.num_cores
    wid = lax.axis_index("s") * nc + lax.axis_index("c")
    b = wid // 4
    flat0 = wid * _EPW

    pltpu.sync_copy(idx_hbm.at[pl.ds(wid * _NCH, _NCH)], idxv)
    pltpu.sync_copy(c_hbm.at[pl.ds(wid * _ROWS_PER_W, _ROWS_PER_W)], crepv)

    def chunk(c, _):
        pltpu.sync_copy(p_hbm.at[b].at[idxv.at[c]],
                        rowsv.at[pl.ds(c * _ICH, _ICH)])
        return 0

    lax.fori_loop(0, _NCH, chunk, 0)

    def row(r, _):
        c16 = crepv[r]

        def one(k, c16):
            i = r * K + k
            rowsv[i] = rowsv[i] - c16
            return c16

        lax.fori_loop(0, K, one, c16)
        return 0

    lax.fori_loop(0, _ROWS_PER_W, row, 0)

    pltpu.sync_copy(rowsv, out_hbm.at[pl.ds(flat0, _EPW)])


def _run_gather(idx2d, pts, ctab):
    mesh = plsc.VectorSubcoreMesh(core_axis_name="c", subcore_axis_name="s")
    kern = functools.partial(
        pl.kernel,
        mesh=mesh,
        compiler_params=pltpu.CompilerParams(use_tc_tiling_on_sc=False),
        out_type=jax.ShapeDtypeStruct((B * G * K, 16), jnp.float32),
        scratch_types=[
            pltpu.VMEM((_NCH, _ICH), jnp.int32),
            pltpu.VMEM((_EPW, 16), jnp.float32),
            pltpu.VMEM((_ROWS_PER_W, 16), jnp.float32),
        ],
    )(_gather_body)
    return kern(idx2d, pts, ctab)


def kernel(xyz):
    x = xyz[:, :, 0]
    y = xyz[:, :, 1]
    z = xyz[:, :, 2]
    center_idx, cx, cy, cz = _run_fps(x, y, z)
    center = jnp.take_along_axis(
        xyz, jnp.broadcast_to(center_idx[:, :, None], (B, G, 3)), axis=1)
    sq = (
        jnp.sum(center ** 2, axis=-1)[:, :, None]
        + jnp.sum(xyz ** 2, axis=-1)[:, None, :]
        - 2.0 * jnp.einsum("bgd,bnd->bgn", center, xyz)
    )
    _, idx = jax.lax.top_k(-sq, K)
    pts = jnp.pad(xyz, ((0, 0), (0, 0), (0, 13)))
    ctab = jnp.pad(center, ((0, 0), (0, 0), (0, 13))).reshape(B * G, 16)
    rows = _run_gather(idx.reshape(-1, _ICH), pts, ctab)
    neighborhood = rows[:, :3].reshape(B, G, K, 3)
    return (neighborhood, center, idx, center_idx)

# --- scband reference (transcript-rebuilt; emitter-appended) ---
"""Pipeline reference for scband-group-48146583388932 (READ-ONLY COPY).

The authoritative reference and input builder live on the scoring server;
editing this copy changes nothing except your own understanding.
"""

import jax, jax.numpy as jnp
import numpy as np

NUM_GROUP = 512
GROUP_SIZE = 32


def setup_inputs(seed: int = 0) -> dict:
    key = jax.random.key(seed)
    xyz = jax.random.uniform(key, (8, 8192, 3), dtype=jnp.float32)
    return {"xyz": xyz}


def _fps(xyz, n_samples):
    # Furthest point sampling, matching pointnet2_utils.furthest_point_sample
    # (starts from index 0, iteratively picks the point with max min-distance).
    B, N, _ = xyz.shape

    def body(i, state):
        idxs, dists, far = state
        idxs = idxs.at[:, i].set(far)
        centroid = jnp.take_along_axis(
            xyz, jnp.broadcast_to(far[:, None, None], (B, 1, 3)), axis=1
        )  # [B,1,3]
        d = jnp.sum((xyz - centroid) ** 2, axis=-1)  # [B,N]
        dists = jnp.minimum(dists, d)
        far = jnp.argmax(dists, axis=-1).astype(jnp.int32)
        return (idxs, dists, far)

    idxs0 = jnp.zeros((B, n_samples), dtype=jnp.int32)
    dists0 = jnp.full((B, N), 1e10, dtype=jnp.float32)
    far0 = jnp.zeros((B,), dtype=jnp.int32)
    idxs, _, _ = jax.lax.fori_loop(0, n_samples, body, (idxs0, dists0, far0))
    return idxs


def _knn_idx(ref, query, k):
    # Euclidean kNN of query points against ref points. Returns sorted
    # (ascending distance) distances and indices like sklearn kneighbors.
    sq = (
        jnp.sum(query ** 2, axis=-1)[:, :, None]
        + jnp.sum(ref ** 2, axis=-1)[:, None, :]
        - 2.0 * jnp.einsum("bgd,bnd->bgn", query, ref)
    )  # [B, G, N]
    neg_vals, idx = jax.lax.top_k(-sq, k)
    D = jnp.sqrt(jnp.maximum(-neg_vals, 0.0))
    return D, idx


def reference(xyz):
    B, N, _ = xyz.shape
    # fps: centers and their indices
    center_idx = _fps(xyz, NUM_GROUP)  # [B, G]
    center = jnp.take_along_axis(
        xyz, jnp.broadcast_to(center_idx[:, :, None], (B, NUM_GROUP, 3)), axis=1
    )  # [B, G, 3]
    # knn of all points against the centers
    _, idx = _knn_idx(xyz, center, GROUP_SIZE)  # [B, G, K]
    ori_idx = idx
    idx_base = (jnp.arange(B, dtype=idx.dtype)[:, None, None]) * N
    flat_idx = (idx + idx_base).reshape(-1)
    neighborhood = xyz.reshape(B * N, 3)[flat_idx, :]
    neighborhood = neighborhood.reshape(B, NUM_GROUP, GROUP_SIZE, 3)
    neighborhood = neighborhood - center[:, :, None, :]
    return (neighborhood, center, ori_idx, center_idx)

if __name__ == "__main__":
    import jax
    _d = setup_inputs()
    print(jax.jit(kernel)(*tuple(_d.values())))

</pallas_src>

<mosaic_0001>
#map = affine_map<(d0, d1) -> (0, 0)>
#map1 = affine_map<(d0, d1) -> (0, 0, 0)>
module attributes {stable_mosaic.version = 14 : i64} {
  func.func @_gather_body(%arg0: i32, %arg1: i32, %arg2: memref<1024x128xi32, #tpu.memory_space<hbm>>, %arg3: memref<8x8192x16xf32, #tpu.memory_space<hbm>>, %arg4: memref<4096x16xf32, #tpu.memory_space<hbm>>, %arg5: memref<131072x16xf32, #tpu.memory_space<hbm>>, %arg6: memref<32x128xi32, #tpu.memory_space<vmem>>, %arg7: memref<4096x16xf32, #tpu.memory_space<vmem>>, %arg8: memref<128x16xf32, #tpu.memory_space<vmem>>) attributes {dimension_semantics = [#tpu.dimension_semantics<core_parallel>, #tpu.dimension_semantics<subcore_parallel>], iteration_bounds = array<i64: 2, 16>, scalar_prefetch = 0 : i64, scratch_operands = 3 : i64, tpu.core_type = #tpu.core_type<sc_vector_subcore>, window_params = [{transform_indices = #map}, {transform_indices = #map1}, {transform_indices = #map}, {transform_indices = #map}]} {
    %mul3A = arith.constant 2 : i32
    %mul3A_0 = arith.muli %arg1, %mul3A : i32
    %add3A = arith.addi %mul3A_0, %arg0 : i32
    %jit3A = arith.constant 4 : i32
    %div3A = arith.divsi %add3A, %jit3A : i32
    %sign3A = arith.constant 0 : i32
    %sign3A_1 = arith.cmpi sgt, %add3A, %sign3A : i32
    %sign3A_2 = arith.extui %sign3A_1 : i1 to i32
    %sign3A_3 = arith.constant 0 : i32
    %sign3A_4 = arith.cmpi slt, %add3A, %sign3A_3 : i32
    %sign3A_5 = arith.extui %sign3A_4 : i1 to i32
    %sign3A_6 = arith.subi %sign3A_2, %sign3A_5 : i32
    %sign3A_7 = arith.constant 0 : i32
    %sign3A_8 = arith.cmpi sgt, %jit3A, %sign3A_7 : i32
    %sign3A_9 = arith.extui %sign3A_8 : i1 to i32
    %sign3A_10 = arith.constant 0 : i32
    %sign3A_11 = arith.cmpi slt, %jit3A, %sign3A_10 : i32
    %sign3A_12 = arith.extui %sign3A_11 : i1 to i32
    %sign3A_13 = arith.subi %sign3A_9, %sign3A_12 : i32
    %ne3A = arith.cmpi ne, %sign3A_6, %sign3A_13 : i32
    %rem3A = arith.remsi %add3A, %jit3A : i32
    %ne3A_14 = arith.constant 0 : i32
    %ne3A_15 = arith.cmpi ne, %rem3A, %ne3A_14 : i32
    %and3A = arith.andi %ne3A, %ne3A_15 : i1
    %sub3A = arith.constant 1 : i32
    %sub3A_16 = arith.subi %div3A, %sub3A : i32
    %select_n3A = arith.select %and3A, %sub3A_16, %div3A : i32
    %mul3A_17 = arith.constant 4096 : i32
    %mul3A_18 = arith.muli %add3A, %mul3A_17 : i32
    %mul3A_19 = arith.constant 32 : i32
    %mul3A_20 = arith.muli %add3A, %mul3A_19 : i32
    "tpu.region"() ({
      %run_scoped3A = tpu.sem_alloc : memref<!tpu.dma_semaphore, #tpu.memory_space<semaphore_mem>>
      %dma_start3A = arith.constant 0 : i32
      %dma_start3A_36 = tpu.memref_slice %arg2[%mul3A_20, %dma_start3A] : memref<1024x128xi32, #tpu.memory_space<hbm>> -> memref<32x128xi32, #tpu.memory_space<hbm>>
      %dma_start3A_37 = arith.constant 0 : i32
      %dma_start3A_38 = tpu.memref_slice %arg2[%mul3A_20, %dma_start3A_37] : memref<1024x128xi32, #tpu.memory_space<hbm>> -> memref<32x128xi32, #tpu.memory_space<hbm>>
      tpu.enqueue_dma source(%dma_start3A_38 : memref<32x128xi32, #tpu.memory_space<hbm>>) target(%arg6 : memref<32x128xi32, #tpu.memory_space<vmem>>) target_semaphore(%run_scoped3A : memref<!tpu.dma_semaphore, #tpu.memory_space<semaphore_mem>>)
      %dma_wait3A = arith.constant 0 : i32
      %dma_wait3A_39 = tpu.memref_slice %arg2[%mul3A_20, %dma_wait3A] : memref<1024x128xi32, #tpu.memory_space<hbm>> -> memref<32x128xi32, #tpu.memory_space<hbm>>
      %dma_wait3A_40 = arith.constant 0 : i32
      %dma_wait3A_41 = tpu.memref_slice %arg2[%mul3A_20, %dma_wait3A_40] : memref<1024x128xi32, #tpu.memory_space<hbm>> -> memref<32x128xi32, #tpu.memory_space<hbm>>
      tpu.wait_dma2 semaphore(%run_scoped3A : memref<!tpu.dma_semaphore, #tpu.memory_space<semaphore_mem>>) src(%dma_wait3A_41 : memref<32x128xi32, #tpu.memory_space<hbm>>) dst(%arg6 : memref<32x128xi32, #tpu.memory_space<vmem>>)
      tpu.yield
    }) : () -> ()
    %mul3A_21 = arith.constant 128 : i32
    %mul3A_22 = arith.muli %add3A, %mul3A_21 : i32
    "tpu.region"() ({
      %run_scoped3A = tpu.sem_alloc : memref<!tpu.dma_semaphore, #tpu.memory_space<semaphore_mem>>
      %dma_start3A = arith.constant 0 : i32
      %dma_start3A_36 = tpu.memref_slice %arg4[%mul3A_22, %dma_start3A] : memref<4096x16xf32, #tpu.memory_space<hbm>> -> memref<128x16xf32, #tpu.memory_space<hbm>>
      %dma_start3A_37 = arith.constant 0 : i32
      %dma_start3A_38 = tpu.memref_slice %arg4[%mul3A_22, %dma_start3A_37] : memref<4096x16xf32, #tpu.memory_space<hbm>> -> memref<128x16xf32, #tpu.memory_space<hbm>>
      tpu.enqueue_dma source(%dma_start3A_38 : memref<128x16xf32, #tpu.memory_space<hbm>>) target(%arg8 : memref<128x16xf32, #tpu.memory_space<vmem>>) target_semaphore(%run_scoped3A : memref<!tpu.dma_semaphore, #tpu.memory_space<semaphore_mem>>)
      %dma_wait3A = arith.constant 0 : i32
      %dma_wait3A_39 = tpu.memref_slice %arg4[%mul3A_22, %dma_wait3A] : memref<4096x16xf32, #tpu.memory_space<hbm>> -> memref<128x16xf32, #tpu.memory_space<hbm>>
      %dma_wait3A_40 = arith.constant 0 : i32
      %dma_wait3A_41 = tpu.memref_slice %arg4[%mul3A_22, %dma_wait3A_40] : memref<4096x16xf32, #tpu.memory_space<hbm>> -> memref<128x16xf32, #tpu.memory_space<hbm>>
      tpu.wait_dma2 semaphore(%run_scoped3A : memref<!tpu.dma_semaphore, #tpu.memory_space<semaphore_mem>>) src(%dma_wait3A_41 : memref<128x16xf32, #tpu.memory_space<hbm>>) dst(%arg8 : memref<128x16xf32, #tpu.memory_space<vmem>>)
      tpu.yield
    }) : () -> ()
    %scan3A = arith.constant 0 : i32
    %scan3A_23 = arith.constant 0 : i32
    %scan3A_24 = arith.constant 32 : i32
    %scan3A_25 = arith.addi %scan3A_23, %scan3A_24 : i32
    %scan3A_26 = arith.constant 1 : i32
    %scan3A_27 = scf.for %scan3A_36 = %scan3A_23 to %scan3A_25 step %scan3A_26 iter_args(%scan3A_37 = %scan3A) -> (i32)  : i32 {
      %mul3A_38 = arith.constant 128 : i32
      %mul3A_39 = arith.muli %scan3A_36, %mul3A_38 : i32
      "tpu.region"() ({
        %run_scoped3A = tpu.sem_alloc : memref<!tpu.dma_semaphore, #tpu.memory_space<semaphore_mem>>
        %dma_start3A = arith.constant 0 : i32
        %dma_start3A_41 = tpu.memref_slice %arg7[%mul3A_39, %dma_start3A] : memref<4096x16xf32, #tpu.memory_space<vmem>> -> memref<128x16xf32, #tpu.memory_space<vmem>>
        %dma_start3A_42 = arith.constant 0 : i32
        %dma_start3A_43 = tpu.memref_slice %arg6[%scan3A_36, %dma_start3A_42] : memref<32x128xi32, #tpu.memory_space<vmem>> -> memref<1x128xi32, #tpu.memory_space<vmem>>
        %dma_start3A_44 = tpu.memref_squeeze %dma_start3A_43 : memref<1x128xi32, #tpu.memory_space<vmem>> -> memref<128xi32, #tpu.memory_space<vmem>>
        %dma_start3A_45 = arith.constant 0 : i32
        %dma_start3A_46 = arith.constant 0 : i32
        %dma_start3A_47 = tpu.memref_slice %arg3[%select_n3A, %dma_start3A_45, %dma_start3A_46] : memref<8x8192x16xf32, #tpu.memory_space<hbm>> -> memref<1x8192x16xf32, #tpu.memory_space<hbm>>
        %dma_start3A_48 = tpu.memref_squeeze %dma_start3A_47 : memref<1x8192x16xf32, #tpu.memory_space<hbm>> -> memref<8192x16xf32, #tpu.memory_space<hbm>>
        %dma_start3A_49 = arith.constant 0 : i32
        %dma_start3A_50 = arith.constant 0 : i32
        %dma_start3A_51 = tpu.memref_slice %dma_start3A_48[%dma_start3A_49, %dma_start3A_50] : memref<8192x16xf32, #tpu.memory_space<hbm>> -> memref<8192x16xf32, #tpu.memory_space<hbm>>
        tpu.enqueue_indirect_dma source(%dma_start3A_51 : memref<8192x16xf32, #tpu.memory_space<hbm>>) target(%dma_start3A_41 : memref<128x16xf32, #tpu.memory_space<vmem>>) offsets(%dma_start3A_44 : memref<128xi32, #tpu.memory_space<vmem>>) semaphore(%run_scoped3A : memref<!tpu.dma_semaphore, #tpu.memory_space<semaphore_mem>>)
        %dma_wait3A = arith.constant 0 : i32
        %dma_wait3A_52 = tpu.memref_slice %arg7[%mul3A_39, %dma_wait3A] : memref<4096x16xf32, #tpu.memory_space<vmem>> -> memref<128x16xf32, #tpu.memory_space<vmem>>
        %dma_wait3A_53 = arith.constant 0 : i32
        %dma_wait3A_54 = tpu.memref_slice %arg6[%scan3A_36, %dma_wait3A_53] : memref<32x128xi32, #tpu.memory_space<vmem>> -> memref<1x128xi32, #tpu.memory_space<vmem>>
        %dma_wait3A_55 = tpu.memref_squeeze %dma_wait3A_54 : memref<1x128xi32, #tpu.memory_space<vmem>> -> memref<128xi32, #tpu.memory_space<vmem>>
        %dma_wait3A_56 = arith.constant 0 : i32
        %dma_wait3A_57 = arith.constant 0 : i32
        %dma_wait3A_58 = tpu.memref_slice %arg3[%select_n3A, %dma_wait3A_56, %dma_wait3A_57] : memref<8x8192x16xf32, #tpu.memory_space<hbm>> -> memref<1x8192x16xf32, #tpu.memory_space<hbm>>
        %dma_wait3A_59 = tpu.memref_squeeze %dma_wait3A_58 : memref<1x8192x16xf32, #tpu.memory_space<hbm>> -> memref<8192x16xf32, #tpu.memory_space<hbm>>
        %dma_wait3A_60 = arith.constant 0 : i32
        %dma_wait3A_61 = arith.constant 0 : i32
        %dma_wait3A_62 = tpu.memref_slice %dma_wait3A_59[%dma_wait3A_60, %dma_wait3A_61] : memref<8192x16xf32, #tpu.memory_space<hbm>> -> memref<8192x16xf32, #tpu.memory_space<hbm>>
        tpu.wait_indirect_dma semaphore(%run_scoped3A : memref<!tpu.dma_semaphore, #tpu.memory_space<semaphore_mem>>) src(%dma_wait3A_62 : memref<8192x16xf32, #tpu.memory_space<hbm>>) dst(%dma_wait3A_52 : memref<128x16xf32, #tpu.memory_space<vmem>>)
        tpu.yield
      }) : () -> ()
      %scan3A_40 = arith.constant 0 : i32
      scf.yield %scan3A_40 : i32
    }
    %scan3A_28 = arith.constant 32 : i32
    %scan3A_29 = arith.constant 0 : i32
    %scan3A_30 = arith.constant 0 : i32
    %scan3A_31 = arith.constant 128 : i32
    %scan3A_32 = arith.addi %scan3A_30, %scan3A_31 : i32
    %scan3A_33 = arith.constant 1 : i32
    %scan3A_34 = scf.for %scan3A_36 = %scan3A_30 to %scan3A_32 step %scan3A_33 iter_args(%scan3A_37 = %scan3A_29) -> (i32)  : i32 {
      %get3A = arith.index_cast %scan3A_36 : i32 to index
      %get3A_38 = arith.constant 0 : index
      %get3A_39 = tpu.vector_load %arg8[%get3A, %get3A_38] {strides = array<i32>} : memref<128x16xf32, #tpu.memory_space<vmem>>, vector<1x16xf32>,
      %get3A_40 = vector.shape_cast %get3A_39 : vector<1x16xf32> to vector<16xf32>
      %scan3A_41 = arith.constant 0 : i32
      %scan3A_42 = arith.constant 32 : i32
      %scan3A_43 = arith.addi %scan3A_41, %scan3A_42 : i32
      %scan3A_44 = arith.constant 1 : i32
      scf.for %scan3A_47 = %scan3A_41 to %scan3A_43 step %scan3A_44  : i32 {
        %mul3A_48 = arith.constant 32 : i32
        %mul3A_49 = arith.muli %scan3A_36, %mul3A_48 : i32
        %add3A_50 = arith.addi %mul3A_49, %scan3A_47 : i32
        %get3A_51 = arith.index_cast %add3A_50 : i32 to index
        %get3A_52 = arith.constant 0 : index
        %get3A_53 = tpu.vector_load %arg7[%get3A_51, %get3A_52] {strides = array<i32>} : memref<4096x16xf32, #tpu.memory_space<vmem>>, vector<1x16xf32>,
        %get3A_54 = vector.shape_cast %get3A_53 : vector<1x16xf32> to vector<16xf32>
        %sub3A_55 = arith.subf %get3A_54, %get3A_40 : vector<16xf32>
        %swap3A = arith.index_cast %add3A_50 : i32 to index
        %swap3A_56 = arith.constant 0 : index
        %swap3A_57 = tpu.vector_load %arg7[%swap3A, %swap3A_56] {strides = array<i32>} : memref<4096x16xf32, #tpu.memory_space<vmem>>, vector<1x16xf32>,
        %swap3A_58 = vector.shape_cast %swap3A_57 : vector<1x16xf32> to vector<16xf32>
        %swap3A_59 = vector.shape_cast %sub3A_55 : vector<16xf32> to vector<1x16xf32>
        tpu.vector_store %arg7[%swap3A, %swap3A_56], %swap3A_59 {strides = array<i32>} : memref<4096x16xf32, #tpu.memory_space<vmem>>, vector<1x16xf32>,
      }
      %scan3A_45 = arith.constant 32 : i32
      %scan3A_46 = arith.constant 0 : i32
      scf.yield %scan3A_46 : i32
    }
    %scan3A_35 = arith.constant 128 : i32
    "tpu.region"() ({
      %run_scoped3A = tpu.sem_alloc : memref<!tpu.dma_semaphore, #tpu.memory_space<semaphore_mem>>
      %dma_start3A = arith.constant 0 : i32
      %dma_start3A_36 = tpu.memref_slice %arg5[%mul3A_18, %dma_start3A] : memref<131072x16xf32, #tpu.memory_space<hbm>> -> memref<4096x16xf32, #tpu.memory_space<hbm>>
      %dma_start3A_37 = arith.constant 0 : i32
      %dma_start3A_38 = tpu.memref_slice %arg5[%mul3A_18, %dma_start3A_37] : memref<131072x16xf32, #tpu.memory_space<hbm>> -> memref<4096x16xf32, #tpu.memory_space<hbm>>
      tpu.enqueue_dma source(%arg7 : memref<4096x16xf32, #tpu.memory_space<vmem>>) target(%dma_start3A_38 : memref<4096x16xf32, #tpu.memory_space<hbm>>) target_semaphore(%run_scoped3A : memref<!tpu.dma_semaphore, #tpu.memory_space<semaphore_mem>>)
      %dma_wait3A = arith.constant 0 : i32
      %dma_wait3A_39 = tpu.memref_slice %arg5[%mul3A_18, %dma_wait3A] : memref<131072x16xf32, #tpu.memory_space<hbm>> -> memref<4096x16xf32, #tpu.memory_space<hbm>>
      %dma_wait3A_40 = arith.constant 0 : i32
      %dma_wait3A_41 = tpu.memref_slice %arg5[%mul3A_18, %dma_wait3A_40] : memref<131072x16xf32, #tpu.memory_space<hbm>> -> memref<4096x16xf32, #tpu.memory_space<hbm>>
      tpu.wait_dma2 semaphore(%run_scoped3A : memref<!tpu.dma_semaphore, #tpu.memory_space<semaphore_mem>>) src(%arg7 : memref<4096x16xf32, #tpu.memory_space<vmem>>) dst(%dma_wait3A_41 : memref<4096x16xf32, #tpu.memory_space<hbm>>)
      tpu.yield
    }) : () -> ()
    return
  }
}

module attributes {stable_mosaic.version = 14 : i64} {
  func.func @_fps_body(%arg0: memref<8x8192xf32, #tpu.memory_space<vmem>>, %arg1: memref<8x8192xf32, #tpu.memory_space<vmem>>, %arg2: memref<8x8192xf32, #tpu.memory_space<vmem>>, %arg3: memref<8x512xi32, #tpu.memory_space<vmem>>, %arg4: memref<8x512xi32, #tpu.memory_space<vmem>>, %arg5: memref<8x512xf32, #tpu.memory_space<vmem>>, %arg6: memref<8x512xf32, #tpu.memory_space<vmem>>, %arg7: memref<8x512xf32, #tpu.memory_space<vmem>>) attributes {dimension_semantics = [], scalar_prefetch = 0 : i64, scratch_operands = 0 : i64, tpu.core_type = #tpu.core_type<tc>} {
    %get3A = arith.constant 0 : index
    %get3A_0 = arith.constant 0 : index
    %get3A_1 = vector.load %arg0[%get3A, %get3A_0] : memref<8x8192xf32, #tpu.memory_space<vmem>>, vector<8x8192xf32>
    %get3A_2 = arith.constant 0 : index
    %get3A_3 = arith.constant 0 : index
    %get3A_4 = vector.load %arg1[%get3A_2, %get3A_3] : memref<8x8192xf32, #tpu.memory_space<vmem>>, vector<8x8192xf32>
    %get3A_5 = arith.constant 0 : index
    %get3A_6 = arith.constant 0 : index
    %get3A_7 = vector.load %arg2[%get3A_5, %get3A_6] : memref<8x8192xf32, #tpu.memory_space<vmem>>, vector<8x8192xf32>
    %iota3A = tpu.iota {dimensions = array<i32: 1>} : vector<8x8192xi32>
    %get3A_8 = arith.constant 0 : index
    %get3A_9 = arith.constant 0 : index
    %get3A_10 = vector.load %arg3[%get3A_8, %get3A_9] : memref<8x512xi32, #tpu.memory_space<vmem>>, vector<8x512xi32>
    %broadcast_in_dim3A = arith.constant 1.000000e+10 : f32
    %broadcast_in_dim3A_11 = vector.broadcast %broadcast_in_dim3A : f32 to vector<8x8192xf32>
    %broadcast_in_dim3A_12 = arith.constant 0 : i32
    %broadcast_in_dim3A_13 = vector.broadcast %broadcast_in_dim3A_12 : i32 to vector<8x1xi32>
    %broadcast_in_dim3A_14 = arith.constant 0.000000e+00 : f32
    %broadcast_in_dim3A_15 = vector.broadcast %broadcast_in_dim3A_14 : f32 to vector<8x512xf32>
    %broadcast_in_dim3A_16 = arith.constant 0 : i32
    %broadcast_in_dim3A_17 = vector.broadcast %broadcast_in_dim3A_16 : i32 to vector<8x512xi32>
    %scan3A = arith.constant 0 : i32
    %scan3A_18 = arith.constant 512 : i32
    %scan3A_19 = arith.addi %scan3A, %scan3A_18 : i32
    %scan3A_20 = arith.constant 1 : i32
    %scan3A_21:6 = scf.for %scan3A_34 = %scan3A to %scan3A_19 step %scan3A_20 iter_args(%scan3A_35 = %broadcast_in_dim3A_11, %scan3A_36 = %broadcast_in_dim3A_13, %scan3A_37 = %broadcast_in_dim3A_17, %scan3A_38 = %broadcast_in_dim3A_15, %scan3A_39 = %broadcast_in_dim3A_15, %scan3A_40 = %broadcast_in_dim3A_15) -> (vector<8x8192xf32>, vector<8x1xi32>, vector<8x512xi32>, vector<8x512xf32>, vector<8x512xf32>, vector<8x512xf32>)  : i32 {
      %eq3A = vector.broadcast %scan3A_34 : i32 to vector<8x512xi32>
      %eq3A_41 = arith.cmpi eq, %get3A_10, %eq3A : vector<8x512xi32>
      %convert_element_type3A = arith.extui %eq3A_41 : vector<8x512xi1> to vector<8x512xi32>
      %convert_element_type3A_42 = arith.sitofp %convert_element_type3A : vector<8x512xi32> to vector<8x512xf32>
      %eq3A_43 = vector.broadcast %scan3A_34 : i32 to vector<8x512xi32>
      %eq3A_44 = arith.cmpi eq, %get3A_10, %eq3A_43 : vector<8x512xi32>
      %convert_element_type3A_45 = arith.extui %eq3A_44 : vector<8x512xi1> to vector<8x512xi32>
      %broadcast_in_dim3A_46 = vector.shape_cast %scan3A_36 : vector<8x1xi32> to vector<8x1xi32>
      %broadcast_in_dim3A_47 = vector.broadcast %broadcast_in_dim3A_46 : vector<8x1xi32> to vector<8x512xi32>
      %mul3A = arith.muli %convert_element_type3A_45, %broadcast_in_dim3A_47 : vector<8x512xi32>
      %add3A = arith.addi %scan3A_37, %mul3A : vector<8x512xi32>
      %eq3A_48 = vector.broadcast %scan3A_36 : vector<8x1xi32> to vector<8x8192xi32>
      %eq3A_49 = arith.cmpi eq, %iota3A, %eq3A_48 : vector<8x8192xi32>
      %jit3A = arith.constant 0.000000e+00 : f32
      %broadcast_in_dim3A_50 = vector.broadcast %jit3A : f32 to vector<8x8192xf32>
      %select_n3A = arith.select %eq3A_49, %get3A_1, %broadcast_in_dim3A_50 : vector<8x8192xi1>, vector<8x8192xf32>
      %reduce_sum3A = arith.constant dense<0.000000e+00> : vector<8xf32>
      %reduce_sum3A_51 = vector.multi_reduction <add>, %select_n3A, %reduce_sum3A [1] : vector<8x8192xf32> to vector<8xf32>
      %broadcast_in_dim3A_52 = vector.shape_cast %reduce_sum3A_51 : vector<8xf32> to vector<8x1xf32>
      %jit3A_53 = arith.constant 0.000000e+00 : f32
      %broadcast_in_dim3A_54 = vector.broadcast %jit3A_53 : f32 to vector<8x8192xf32>
      %select_n3A_55 = arith.select %eq3A_49, %get3A_4, %broadcast_in_dim3A_54 : vector<8x8192xi1>, vector<8x8192xf32>
      %reduce_sum3A_56 = arith.constant dense<0.000000e+00> : vector<8xf32>
      %reduce_sum3A_57 = vector.multi_reduction <add>, %select_n3A_55, %reduce_sum3A_56 [1] : vector<8x8192xf32> to vector<8xf32>
      %broadcast_in_dim3A_58 = vector.shape_cast %reduce_sum3A_57 : vector<8xf32> to vector<8x1xf32>
      %jit3A_59 = arith.constant 0.000000e+00 : f32
      %broadcast_in_dim3A_60 = vector.broadcast %jit3A_59 : f32 to vector<8x8192xf32>
      %select_n3A_61 = arith.select %eq3A_49, %get3A_7, %broadcast_in_dim3A_60 : vector<8x8192xi1>, vector<8x8192xf32>
      %reduce_sum3A_62 = arith.constant dense<0.000000e+00> : vector<8xf32>
      %reduce_sum3A_63 = vector.multi_reduction <add>, %select_n3A_61, %reduce_sum3A_62 [1] : vector<8x8192xf32> to vector<8xf32>
      %broadcast_in_dim3A_64 = vector.shape_cast %reduce_sum3A_63 : vector<8xf32> to vector<8x1xf32>
      %broadcast_in_dim3A_65 = vector.shape_cast %broadcast_in_dim3A_52 : vector<8x1xf32> to vector<8x1xf32>
      %broadcast_in_dim3A_66 = vector.broadcast %broadcast_in_dim3A_65 : vector<8x1xf32> to vector<8x512xf32>
      %mul3A_67 = arith.mulf %convert_element_type3A_42, %broadcast_in_dim3A_66 : vector<8x512xf32>
      %add3A_68 = arith.addf %scan3A_38, %mul3A_67 : vector<8x512xf32>
      %broadcast_in_dim3A_69 = vector.shape_cast %broadcast_in_dim3A_58 : vector<8x1xf32> to vector<8x1xf32>
      %broadcast_in_dim3A_70 = vector.broadcast %broadcast_in_dim3A_69 : vector<8x1xf32> to vector<8x512xf32>
      %mul3A_71 = arith.mulf %convert_element_type3A_42, %broadcast_in_dim3A_70 : vector<8x512xf32>
      %add3A_72 = arith.addf %scan3A_39, %mul3A_71 : vector<8x512xf32>
      %broadcast_in_dim3A_73 = vector.shape_cast %broadcast_in_dim3A_64 : vector<8x1xf32> to vector<8x1xf32>
      %broadcast_in_dim3A_74 = vector.broadcast %broadcast_in_dim3A_73 : vector<8x1xf32> to vector<8x512xf32>
      %mul3A_75 = arith.mulf %convert_element_type3A_42, %broadcast_in_dim3A_74 : vector<8x512xf32>
      %add3A_76 = arith.addf %scan3A_40, %mul3A_75 : vector<8x512xf32>
      %sub3A = vector.broadcast %broadcast_in_dim3A_52 : vector<8x1xf32> to vector<8x8192xf32>
      %sub3A_77 = arith.subf %get3A_1, %sub3A : vector<8x8192xf32>
      %sub3A_78 = vector.broadcast %broadcast_in_dim3A_58 : vector<8x1xf32> to vector<8x8192xf32>
      %sub3A_79 = arith.subf %get3A_4, %sub3A_78 : vector<8x8192xf32>
      %sub3A_80 = vector.broadcast %broadcast_in_dim3A_64 : vector<8x1xf32> to vector<8x8192xf32>
      %sub3A_81 = arith.subf %get3A_7, %sub3A_80 : vector<8x8192xf32>
      %mul3A_82 = arith.mulf %sub3A_77, %sub3A_77 : vector<8x8192xf32>
      %mul3A_83 = arith.mulf %sub3A_79, %sub3A_79 : vector<8x8192xf32>
      %add3A_84 = arith.addf %mul3A_82, %mul3A_83 : vector<8x8192xf32>
      %mul3A_85 = arith.mulf %sub3A_81, %sub3A_81 : vector<8x8192xf32>
      %add3A_86 = arith.addf %add3A_84, %mul3A_85 : vector<8x8192xf32>
      %min3A = arith.minimumf %scan3A_35, %add3A_86 : vector<8x8192xf32>
      %reduce_max3A = arith.constant dense<0xFF800000> : vector<8xf32>
      %reduce_max3A_87 = vector.multi_reduction <maximumf>, %min3A, %reduce_max3A [1] : vector<8x8192xf32> to vector<8xf32>
      %broadcast_in_dim3A_88 = vector.shape_cast %reduce_max3A_87 : vector<8xf32> to vector<8x1xf32>
      %eq3A_89 = vector.broadcast %broadcast_in_dim3A_88 : vector<8x1xf32> to vector<8x8192xf32>
      %eq3A_90 = arith.cmpf oeq, %min3A, %eq3A_89 : vector<8x8192xf32>
      %jit3A_91 = arith.constant 8192 : i32
      %broadcast_in_dim3A_92 = vector.broadcast %jit3A_91 : i32 to vector<8x8192xi32>
      %select_n3A_93 = arith.select %eq3A_90, %iota3A, %broadcast_in_dim3A_92 : vector<8x8192xi1>, vector<8x8192xi32>
      %reduce_min3A = arith.constant dense<2147483647> : vector<8xi32>
      %reduce_min3A_94 = vector.multi_reduction <minsi>, %select_n3A_93, %reduce_min3A [1] : vector<8x8192xi32> to vector<8xi32>
      %broadcast_in_dim3A_95 = vector.shape_cast %reduce_min3A_94 : vector<8xi32> to vector<8x1xi32>
      scf.yield %min3A, %broadcast_in_dim3A_95, %add3A, %add3A_68, %add3A_72, %add3A_76 : vector<8x8192xf32>, vector<8x1xi32>, vector<8x512xi32>, vector<8x512xf32>, vector<8x512xf32>, vector<8x512xf32>
    }
    %scan3A_22 = arith.constant 512 : i32
    %swap3A = arith.constant 0 : index
    %swap3A_23 = arith.constant 0 : index
    %swap3A_24 = vector.load %arg4[%swap3A, %swap3A_23] : memref<8x512xi32, #tpu.memory_space<vmem>>, vector<8x512xi32>
    tpu.vector_store %arg4[%swap3A, %swap3A_23], %scan3A_21#2 {strides = array<i32>} : memref<8x512xi32, #tpu.memory_space<vmem>>, vector<8x512xi32>,
    %swap3A_25 = arith.constant 0 : index
    %swap3A_26 = arith.constant 0 : index
    %swap3A_27 = vector.load %arg5[%swap3A_25, %swap3A_26] : memref<8x512xf32, #tpu.memory_space<vmem>>, vector<8x512xf32>
    tpu.vector_store %arg5[%swap3A_25, %swap3A_26], %scan3A_21#3 {strides = array<i32>} : memref<8x512xf32, #tpu.memory_space<vmem>>, vector<8x512xf32>,
    %swap3A_28 = arith.constant 0 : index
    %swap3A_29 = arith.constant 0 : index
    %swap3A_30 = vector.load %arg6[%swap3A_28, %swap3A_29] : memref<8x512xf32, #tpu.memory_space<vmem>>, vector<8x512xf32>
    tpu.vector_store %arg6[%swap3A_28, %swap3A_29], %scan3A_21#4 {strides = array<i32>} : memref<8x512xf32, #tpu.memory_space<vmem>>, vector<8x512xf32>,
    %swap3A_31 = arith.constant 0 : index
    %swap3A_32 = arith.constant 0 : index
    %swap3A_33 = vector.load %arg7[%swap3A_31, %swap3A_32] : memref<8x512xf32, #tpu.memory_space<vmem>>, vector<8x512xf32>
    tpu.vector_store %arg7[%swap3A_31, %swap3A_32], %scan3A_21#5 {strides = array<i32>} : memref<8x512xf32, #tpu.memory_space<vmem>>, vector<8x512xf32>,
    return
  }
}

</mosaic_0001>

<sc_bundles>
// kernel: gather_offload_async_start
scs
__scs_entry_jumppad:
0x0: {  	(pc) =	sbr.rel $0x88, $3  }
0x1: {  	(tag) =	ssettag $0x0;
	lr =	simm.s32 $0x1  }
0x2: {  	[smem:$0x3FA0] =	sst lr;
	_ =	strace $0xD0000000  }
0x3: {  	_ = 	snop  }
0x4: {  	_ = 	snop  }
0x5: {  	_ = 	snop  }
0x6: {  	_ = 	snop  }
0x7: {  	_ = 	snop  }
__scs_overlays_trampoline_lowered:
0x8: {  	[smem:$0x3FAF] =	sst s0  }
0x9: {  	[smem:$0x3FB0] =	sst s1  }
0xa: {  	[smem:$0x3FB1] =	sst s2  }
0xb: {  	[smem:$0x3FB2] =	sst s3  }
0xc: {  	[smem:$0x3FB3] =	sst s4  }
0xd: {  	[smem:$0x3FB4] =	sst s5  }
0xe: {  	[smem:$0x3FB5] =	sst s6  }
0xf: {  	[smem:$0x3FB6] =	sst s7  }
0x10: {  	[smem:$0x3FB7] =	sst s8  }
0x11: {  	[smem:$0x3FB8] =	sst s9;
	s0 =	simm.s32 @!p0 $0x0  }
0x12: {  	s1 =	sld [smem:$0x3F9E];
	s0 =	simm.s32 @p0 $0x1  }
0x13: {  	[smem:$0x3FB9] =	sst s0;
	s0 =	simm.s32 @!p1 $0x0  }
0x14: {  	s2 =	sld [smem:$0x3F9D];
	s0 =	simm.s32 @p1 $0x1  }
0x15: {  	[smem:$0x3FBA] =	sst s0;
	s0 =	simm.s32 @!p2 $0x0  }
0x16: {  	s3 =	sld [smem:$0x3FDB];
	s0 =	simm.s32 @p2 $0x1  }
0x17: {  	s4 =	simm.s32 $0x1BF5;
	[smem:$0x3FBC] =	sst s0  }
0x18: {  	s0 =	sld [smem:$0x3F9F];
	_ =	swait.ge [sflag:s4], $0x0  }
0x19: {  	s7 =	sld [smem:$0x3FA0]  }
0x1a: {  	s8 =	sadd.s32 $0xFFFFE003, lr  }
0x1b: {  	s9 =	sadd.s32 $0xFFFFFEF7, lr;
	s5 =	simm.s32 $0xFFFFFFFF;
	p2 =	slt.u32 s8, $0xFFFFF086  }
0x1c: {  	p1 =	slt.u32 s9, $0xF7A;
	s5 =	simm.s32 @!p2 $0x0  }
0x1d: {  	s5 =	simm.s32 @p1 $0x1;
	p0 =	seq.s32 s7, s2  }
0x1e: {  	s7 =	smul.u32 @!p0 $0xF7A, s2;
	p2 =	seq.s32 @!p0 s5, $0x0  }
0x1f: {  	s9 =	smul.u32 $0xF7A, s1;
	s8 =	simm.s32 @!p0 $0x1BF5;
	p2 =	por !p2, p0  }
0x20: {  	[sflag:s8] =	ssyncset.s32 @!p0 $0xFFFFF086;
	s6 =	sadd.s32 @!p0 s3, s7;
	s7 =	simm.s32 @!p0 $0x108  }
0x21: {  	s3 =	sadd.s32 s3, s9;
	s6 =	sadd.s32 @!p0 $0x88, s6;
	s7 =	simm.s32 @p2 $0x1082  }
0x22: {  	[simem:s7], [sflag:s8] =	dma.local @!p0 [hbm:s6], $0xF7A  }
0x23: {  	s9 =	sor.u32 $0xD0000000, s2;
	s6 =	simm.s32 $0x108;
	_ =	swait.ge @!p0 [sflag:s8], $0x0  }
0x24: {  	s3 =	sadd.s32 $0x88, s3;
	s6 =	simm.s32 @!p1 $0x1082;
	[sflag:s4] =	ssyncset.s32 $0xFFFFF086  }
0x25: {  	[simem:s6], [sflag:s4] =	dma.local [hbm:s3], $0xF7A  }
0x26: {  	[smem:$0x3FA0] =	sst s1;
	(tag) =	ssettag s2;
	_ =	strace s9  }
0x27: {  	s1 =	sld [smem:$0x3FB0]  }
0x28: {  	s2 =	sld [smem:$0x3FB1]  }
0x29: {  	s4 =	sld [smem:$0x3FB3]  }
0x2a: {  	p0 =	seq.s32 s5, $0x0;
	s5 =	sld [smem:$0x3FB4]  }
0x2b: {  	s6 =	sld [smem:$0x3FB5]  }
0x2c: {  	s7 =	sld [smem:$0x3FB6]  }
0x2d: {  	s3 =	simm.s32 $0x108;
	s8 =	sld [smem:$0x3FB7]  }
0x2e: {  	s3 =	simm.s32 @!p0 $0x1082;
	s9 =	sld [smem:$0x3FB8]  }
0x2f: {  	lr =	sadd.s32 s0, s3;
	s0 =	sld [smem:$0x3FAF]  }
0x30: {  	s3 =	sld [smem:$0x3FB2]  }
0x31: {  	[smem:$0x3FBB] =	sst s10  }
0x32: {  	s10 =	sld [smem:$0x3FB9];
	_ =	sdelay $0x3  }
0x33: {  	p0 =	seq.s32 s10, $0x1;
	s10 =	sld [smem:$0x3FBB];
	_ =	sdelay $0x3  }
0x34: {  	[smem:$0x3FBB] =	sst s10  }
0x35: {  	s10 =	sld [smem:$0x3FBA];
	_ =	sdelay $0x3  }
0x36: {  	p1 =	seq.s32 s10, $0x1;
	s10 =	sld [smem:$0x3FBB];
	_ =	sdelay $0x3  }
0x37: {  	[smem:$0x3FBB] =	sst s10  }
0x38: {  	s10 =	sld [smem:$0x3FBC]  }
0x39: {  	_ = 	snop;
	(pc) =	sbr.ind lr, $3  }
0x3a: {  	_ = 	snop  }
0x3b: {  	_ = 	snop  }
0x3c: {  	p2 =	seq.s32 s10, $0x1;
	s10 =	sld [smem:$0x3FBB]  }
0x3d: {  	_ =	shalt  }
0x3e: {  	_ =	shalt  }
0x3f: {  	_ =	shalt  }
0x40: {  	_ =	shalt  }
0x41: {  	_ =	shalt  }
0x42: {  	_ =	shalt  }
0x43: {  	_ =	shalt  }
0x44: {  	_ =	shalt  }
0x45: {  	_ =	shalt  }
0x46: {  	_ =	shalt  }
0x47: {  	_ =	shalt  }
0x48: {  	_ =	shalt  }
0x49: {  	_ =	shalt  }
0x4a: {  	_ =	shalt  }
0x4b: {  	_ =	shalt  }
0x4c: {  	_ =	shalt  }
0x4d: {  	_ =	shalt  }
0x4e: {  	_ =	shalt  }
0x4f: {  	_ =	shalt  }
0x50: {  	_ =	shalt  }
0x51: {  	_ =	shalt  }
0x52: {  	_ =	shalt  }
0x53: {  	_ =	shalt  }
0x54: {  	_ =	shalt  }
0x55: {  	_ =	shalt  }
0x56: {  	_ =	shalt  }
0x57: {  	_ =	shalt  }
0x58: {  	_ =	shalt  }
0x59: {  	_ =	shalt  }
0x5a: {  	_ =	shalt  }
0x5b: {  	_ =	shalt  }
0x5c: {  	_ =	shalt  }
0x5d: {  	_ =	shalt  }
0x5e: {  	_ =	shalt  }
0x5f: {  	_ =	shalt  }
0x60: {  	_ =	shalt  }
0x61: {  	_ =	shalt  }
0x62: {  	_ =	shalt  }
0x63: {  	_ =	shalt  }
0x64: {  	_ =	shalt  }
0x65: {  	_ =	shalt  }
0x66: {  	_ =	shalt  }
0x67: {  	_ =	shalt  }
0x68: {  	_ =	shalt  }
0x69: {  	_ =	shalt  }
0x6a: {  	_ =	shalt  }
0x6b: {  	_ =	shalt  }
0x6c: {  	_ =	shalt  }
0x6d: {  	_ =	shalt  }
0x6e: {  	_ =	shalt  }
0x6f: {  	_ =	shalt  }
0x70: {  	_ =	shalt  }
0x71: {  	_ =	shalt  }
0x72: {  	_ =	shalt  }
0x73: {  	_ =	shalt  }
0x74: {  	_ =	shalt  }
0x75: {  	_ =	shalt  }
0x76: {  	_ =	shalt  }
0x77: {  	_ =	shalt  }
0x78: {  	_ =	shalt  }
0x79: {  	_ =	shalt  }
0x7a: {  	_ =	shalt  }
0x7b: {  	_ =	shalt  }
0x7c: {  	_ =	shalt  }
0x7d: {  	_ =	shalt  }
0x7e: {  	_ =	shalt  }
0x7f: {  	_ =	shalt  }
0x80: {  	_ =	shalt  }
0x81: {  	_ =	shalt  }
0x82: {  	_ =	shalt  }
0x83: {  	_ =	shalt  }
0x84: {  	_ =	shalt  }
0x85: {  	_ =	shalt  }
0x86: {  	_ =	shalt  }
0x87: {  	_ =	shalt  }
.Lfunc_end0:
.L_simem_size_0:
called_computation.1_lowered:
.L_overlay_start_0:
0x88: {  	s2 =	sld [smem:$0x3FD9]  }
0x89: {  	s3 =	sld [smem:$0x3FFE];
	_ =	sdelay $0x1  }
0x8a: {  	s1 =	srdreg.scid  }
0x8b: {  	s0 =	sand.u32 $0x1, s1  }
0x8c: {  	s15 =	sshll.u32 s0, $0xA;
	s2 =	sadd.s32 s3, s2  }
0x8d: {  	s2 =	sadd.s32 s2, s15  }
0x8e: {  	[smem:$0x3FC7] =	sst s2  }
0x8f: {  	_ = 	snop  }
0x90: {  	s2 =	sld [smem:$0x3FD0];
	_ =	sdelay $0x2  }
0x91: {  	s4 =	simm.s32 $0xA;
	s5 =	simm.s32 $0x10;
	s16 =	sld [smem:$0x3FC9]  }
0x92: {  	[smem:s5], [sflag:s4] =	dma.local [hbm:s2], $0x1  }
0x93: {  	_ =	swait.eq [sflag:s4], $0x1  }
0x94: {  	[sflag:s4] =	ssyncset.done $0x0  }
0x95: {  	s17 =	sld [smem:$0x10];
	[sflag:s4] =	ssyncadd.s32 $0xFFFFFFFF  }
0x96: {  	s18 =	sld [smem:$0x11];
	(tm) =	ssettm $0x1  }
0x97: {  	s19 =	sld [smem:$0x3FFB];
	_ =	sdelay $0x3  }
0x98: {  	_ =	strace s19  }
0x99: {  	s5 =	sld [smem:$0x3FFC];
	_ =	sdelay $0x3  }
0x9a: {  	_ =	strace s5  }
0x9b: {  	s5 =	sld [smem:$0x3FFD];
	_ =	sdelay $0x3  }
0x9c: {  	_ =	strace s5  }
0x9d: {  	_ =	strace $0x8FFFFFFF  }
0x9e: {  	s20 =	sld [smem:$0x3FDB];
	_ =	sdelay $0x1  }
0x9f: {  	s6 =	simm.s32 $_scs_section_size  }
0xa0: {  	s7 =	simm.s32 $_size__tile_overlayer_lowered;
	s8 =	simm.s32 $_tile_overlayer_lowered  }
0xa1: {  	s23 =	simm.s32 $0x1BFF;
	s22 =	sshll.u32 s8, $0x1;
	s5 =	sadd.s32 s6, s20  }
0xa2: {  	s9 =	simm.s32 $0x0;
	s21 =	sshll.u32 s7, $0x1;
	s7 =	sadd.s32 s22, s5  }
0xa3: {  	[timem:s9], [sflag:s23] =	dma.local [hbm:s7], s21  }
0xa4: {  	_ =	swait.ge [sflag:s23], s21  }
0xa5: {  	s6 =	ssub.s32 $0x0, s21;
	[sflag:s23] =	ssyncset.done $0x0  }
0xa6: {  	[sflag:s23] =	ssyncadd.s32 s6;
	_ =	sdelay $0x1  }
0xa7: {  	s24 =	simm.s32 $0x1B8B  }
0xa8: {  	_ =	swait.ge [sflag:s24], $0x1  }
0xa9: {  	[sflag:s24] =	ssyncset.done $0x0  }
0xaa: {  	s25 =	simm.s32 $0x1B8E;
	[sflag:s24] =	ssyncadd.s32 $0xFFFFFFFF  }
0xab: {  	s26 =	simm.s32 $execute0_lowered;
	[smem:$0x3FD2] =	sst s25  }
0xac: {  	s6 =	sshll.u32 s26, $0x1;
	_ =	strace $0x80000046;
	[dreg:$0x1] =	wrdreg $0xFFFFFFFF  }
0xad: {  	s28 =	simm.s32 $_size_execute0_lowered;
	s5 =	sadd.s32 s5, s6;
	[dreg:$0x0] =	wrdreg $0x0  }
0xae: {  	s6 =	sshll.u32 s28, $0x1;
	[dreg:$0x2] =	wrdreg s5  }
0xaf: {  	[dreg:$0x3] =	wrdreg s6  }
0xb0: {  	[dreg:$0x4] =	wrdreg $0xC0  }
0xb1: {  	_ =	task [dreg:s9], $0x5FFFF  }
0xb2: {  	[dreg:$0x1] =	wrdreg $0xFFFFFFFF  }
0xb3: {  	[dreg:$0x0] =	wrdreg $0x60  }
0xb4: {  	[dreg:$0x2] =	wrdreg s16  }
0xb5: {  	[dreg:$0x3] =	wrdreg s18  }
0xb6: {  	[dreg:$0x4] =	wrdreg s17  }
0xb7: {  	[dreg:$0x5] =	wrdreg $0x9  }
0xb8: {  	_ =	task.clear_ibuf [dreg:s9], $0x6FFFF;
	_ =	strace $0x90000046  }
0xb9: {  	s29 =	simm.s32 $0x9;
	_ =	strace $0x80000048  }
0xba: {  	_ =	swait.ge [sflag:s29], $0x1  }
0xbb: {  	[sflag:s29] =	ssyncadd.s32 $0xFFFFFFFF  }
0xbc: {  	_ =	strace $0x90000048  }
0xbd: {  	_ =	sfence  }
0xbe: {  	s30 =	sld [smem:$0x0];
	_ =	sdelay $0x2  }
0xbf: {  	s31 =	sshll.u32 s1, $0xD;
	s1 =	sshrl.u32 s1, $0x2  }
0xc0: {  	s3 =	sand.u32 $0x4000, s31;
	s1 =	sadd.s32 s1, s30  }
0xc1: {  	s0 =	sor.u32 s3, s0;
	s1 =	sshll.u32 s1, $0x11  }
0xc2: {  	s0 =	sor.u32 s1, s0  }
0xc3: {  	s0 =	sadd.s32 $0x8F2B, s0  }
0xc4: {  	[sflag:s0] =	ssyncadd.remote.s32 $0x1  }
0xc5: {  	_ =	sfence.sel $0xFFFF  }
0xc6: {  	[dreg:$0x0] =	wrdreg $0xFFFFFFFF;
	(pc) =	sbr.abs _section_cstart, $3  }
0xc7: {  	[dreg:$0x1] =	wrdreg $0xFFFFFFFF  }
0xc8: {  	_ =	task.clear_ibuf [dreg:s9], $0x2FFFF;
	_ =	strace $0x9FFFFFFF  }
0xc9: {  	(tm) =	ssettm $0x7FFFFFFF  }
tec
execute0_lowered:
.L_overlay_start_1:
0x0: {  	(tag) =	ssettag $0x1  }
0x1: {  	s1 =	srdreg.scid;
	s2 =	rddreg [dreg:$0x0]  }
0x2: {  	s0 =	stileid.u32;
	s3 =	rddreg [dreg:$0x1]  }
0x3: {  	s4 =	rddreg [dreg:$0x2];
	s6 =	simm.s32 $0x1;
	s1 =	sshll.u32 s1, $0x8  }
0x4: {  	s9 =	simm.s32 $0x1;
	s5 =	sshll.u32 s0, $0x9;
	s1 =	sand.u32 $0x100, s1  }
0x5: {  	s10 =	simm.s32 $0x3;
	s13 =	simm.s32 $0x0;
	s5 =	sor.u32 s5, s1  }
0x6: {  	s12 =	simm.s32 $0x0;
	s1 =	rddreg [dreg:$0x3];
	s8 =	ssub.s32 $0x3000, s5  }
.Ltmp0:
0x7: {  	_ =	strace $0x80000047;
	s7 =	sand.u32 $0x1F00, s8;
	(pc) =	sbr.rel .LBB2_1-.Ltmp0, $4  }
0x8: {  	[sflag:s6] =	ssyncpa.u1 $0x0;
	s11 =	smov.u32 s5;
	p0 =	sne.s32 s7, $0x0  }
0x9: {  	s8 =	sshrl.u32 s8, $0xD;
	s7 =	simm.s32 $0x2;
	s9 =	simm.s32 @!p0 $0x0  }
0xa: {  	[sflag:s7] =	ssyncpa.u1 $0x0;
	p0 =	por $0x0, $0x0;
	s8 =	sadd.s32 s9, s8  }
0xb: {  	vm0 =	vmmov $0xffff;
	[sflag:s10] =	ssyncpa.u1 $0x0;
	s10 =	simm.s32 $0x0;
	s9 =	sadd.s32 $0x1, s8  }
.LBB2_4:
0xc: {  	vm1 =	veq.s32 v0, $0x80000000;
	v3 =	vand.u32 $0x7, v0;
	v62 =	vshll.u32 v0, $0xD  }
0xd: {  	v2 =	vand.u32 $0x1FFF, v2;
	v3 =	vsel vm1, $0xFFFFFFFF, v3;
	v0 =	vand.u32 $0x30000, v62  }
0xe: {  	v0 =	vsel vm1, $0xFFFF0000, v0;
	v4 =	vand.u32 $0xFFFF0000, v3;
	v3 =	vshll.u32 v3, $0x7  }
0xf: {  	v2 =	vsel vm1, $0xFFFFFFFF, v2;
	v0 =	vadd.s32 v4, v0;
	v3 =	vand.u32 $0x380, v3  }
0x10: {  	v63 =	vand.u32 $0x7F, v2;
	v2 =	vshll.u32 v2, $0x3;
	v0 =	vor.u32 v3, v0  }
0x11: {  	v2 =	vand.u32 $0xFFFFFC00, v2;
	v0 =	vor.u32 v63, v0  }
0x12: {  	v0 =	vadd.s32 v2, v0;
	_ =	sdelay $0x1  }
0x13: {  	(ifvalue) =	ssetifvalue $0x7FFFFFFF;
	s14 =	sadd.s32 $0x10, s14  }
0x14: {  	[tilespmem:s14], [sflag:$0x1] =	stream.indirect_vreg.gather [hbm4b:s2+s10], $0x1, v1, vm0, $0x4038;
	[tilespmem:$0x400] =	vst v63  }
0x15: {  	(ifvalue) =	ssetifvalue $0x7FFFFFFF;
	s14 =	sadd.s32 $0x10, s14  }
0x16: {  	[tilespmem:s14], [sflag:$0x1] =	stream.indirect_vreg.gather [hbm4b:s2+s10], $0x1, v0, vm0, $0x4038;
	[tilespmem:$0x400] =	vst v63  }
0x17: {  	_ =	swait.ge [sflag:s6], $0x100  }
0x18: {  	s30 =	sshrl.u32 s13, $0x3;
	[sflag:s6] =	ssyncset.done $0x0  }
0x19: {  	s31 =	sand.u32 $0x7, s13;
	s14 =	sadd.s32 s4, s30;
	[sflag:s6] =	ssyncadd.s32 $0xFFFFFF00  }
0x1a: {  	[hbm4b:s14+s31] =	stream.linear.scatter [tilespmem:s15], [sflag:$0x3], $0x100, $0x38;
	[tilespmem:$0x400] =	vst v63  }
.LBB2_5:
0x1b: {  	s15 =	sadd.s32 $0x2000, s11  }
0x1c: {  	p2 =	sgt.s32 s15, $0x2FFF  }
0x1d: {  	s15 =	smov.u32 @p2 s5;
	p2 =	sne.s32 s12, s9  }
.Ltmp1:
0x1e: {  	p1 =	slt.u32 s12, $0x2;
	(pc) =	sbr.rel @!p2 .LBB2_6-.Ltmp1, $4  }
0x1f: {  	s14 =	simm.s32 @!p1 $0x3  }
0x20: {  	s16 =	sadd.s32 $0x1, s12;
	_ =	swait.ge @!p1 [sflag:s14], $0x100  }
0x21: {  	s13 =	smov.u32 s11;
	p0 =	por !p0, !p0;
	[sflag:s14] =	ssyncset.done @!p1 $0x0  }
0x22: {  	s12 =	smov.u32 s16;
	s11 =	smov.u32 s15;
	[sflag:s14] =	ssyncadd.s32 @!p1 $0xFFFFFF00  }
.LBB2_1:
0x23: {  	p1 =	sge.u32 s12, s8  }
0x24: {  	s14 =	sxor.u32 @!p1 $0xFFFFFFFF, s12  }
0x25: {  	s31 =	sadd.s32 $0xFFFFFFFF, s12;
	s15 =	sshrl.u32 @!p1 s11, $0x3;
	s14 =	sshll.u32 @!p1 s14, $0x8  }
0x26: {  	s16 =	sand.u32 @!p1 $0x7, s11;
	s15 =	sadd.s32 @!p1 s3, s15;
	s14 =	sand.u32 @!p1 $0x100, s14  }
0x27: {  	[tilespmem:s14], [sflag:$0x2] =	stream.linear.gather @!p1 [hbm4b:s15+s16], $0x100, $0x38;
	[tilespmem:$0x400] =	vst v63  }
0x28: {  	p1 =	sge.u32 s31, s8  }
.Ltmp2:
0x29: {  	_ = 	snop;
	(pc) =	sbr.rel @p1 .LBB2_5-.Ltmp2, $1  }
0x2a: {  	_ =	sdelay $0x3  }
0x2b: {  	s14 =	simm.s32 $0x1  }
0x2c: {  	_ =	swait.ge [sflag:s7], $0x100;
	s14 =	simm.s32 @!p0 $0x0  }
0x2d: {  	[sflag:s7] =	ssyncset.done $0x0;
	s14 =	sshll.u32 s14, $0x8  }
0x2e: {  	[sflag:s7] =	ssyncadd.s32 $0xFFFFFF00;
	(ifvalue) =	ssetifvalue $0x7FFFFFFF;
	v0 =	vld.msk [tilespmem:s14+$0x0 ss:$0x1], $0xffff;
	_ =	sdelay $0x1  }
0x2f: {  	s15 =	sadd.s32 $0x10, s14  }
0x30: {  	v3 =	vld.msk [tilespmem:s15+$0x0 ss:$0x1], $0xffff;
	_ =	sdelay $0x1  }
0x31: {  	v1 =	vshrl.u32 v0, $0x5  }
0x32: {  	vm1 =	veq.s32 v0, $0x80000000;
	v2 =	vand.u32 $0x7, v0;
	v0 =	vshll.u32 v0, $0xD  }
0x33: {  	v2 =	vsel vm1, $0xFFFFFFFF, v2;
	v0 =	vand.u32 $0x30000, v0  }
0x34: {  	v1 =	vand.u32 $0x1FFF, v1;
	v62 =	vand.u32 $0x7, v3;
	v0 =	vsel vm1, $0xFFFF0000, v0  }
0x35: {  	v4 =	vand.u32 $0xFFFF0000, v2;
	v2 =	vshll.u32 v2, $0x7;
	v1 =	vsel vm1, $0xFFFFFFFF, v1  }
0x36: {  	vm1 =	veq.s32 v3, $0x80000000;
	v0 =	vadd.s32 v4, v0;
	v2 =	vand.u32 $0x380, v2  }
0x37: {  	v61 =	vand.u32 $0x7F, v1;
	v1 =	vshll.u32 v1, $0x3;
	v0 =	vor.u32 v2, v0  }
0x38: {  	v4 =	vsel vm1, $0xFFFFFFFF, v62;
	v1 =	vand.u32 $0xFFFFFC00, v1;
	v0 =	vor.u32 v61, v0  }
0x39: {  	s17 =	sadd.s32 $0x10, s15;
	v2 =	vshrl.u32 v3, $0x5;
	v3 =	vshll.u32 v3, $0xD;
	v1 =	vadd.s32 v1, v0  }
0x3a: {  	v5 =	vand.u32 $0xFFFF0000, v4;
	v3 =	vand.u32 $0x30000, v3;
	v0 =	vld.msk [tilespmem:s17+$0x0 ss:$0x1], $0xffff  }
0x3b: {  	v4 =	vshll.u32 v4, $0x7;
	v2 =	vand.u32 $0x1FFF, v2;
	v3 =	vsel vm1, $0xFFFF0000, v3  }
0x3c: {  	s31 =	sshll.u32 s12, $0x8;
	v4 =	vand.u32 $0x380, v4;
	v2 =	vsel vm1, $0xFFFFFFFF, v2;
	v3 =	vadd.s32 v5, v3  }
0x3d: {  	s14 =	sor.u32 $0x200, s14;
	s15 =	sand.u32 $0x100, s31;
	(ifvalue) =	ssetifvalue $0x7FFFFFFF;
	v63 =	vand.u32 $0x7F, v2;
	v2 =	vshll.u32 v2, $0x3;
	v3 =	vor.u32 v4, v3  }
0x3e: {  	v3 =	vor.u32 v63, v3;
	[tilespmem:s14], [sflag:$0x1] =	stream.indirect_vreg.gather [hbm4b:s2+s10], $0x1, v1, vm0, $0x4038;
	v1 =	vand.u32 $0xFFFFFC00, v2;
	[tilespmem:$0x400] =	vst v63  }
0x3f: {  	s16 =	simm.s32 $0x20;
	s15 =	sor.u32 $0x200, s15;
	s17 =	sadd.s32 $0x10, s17;
	v2 =	vshrl.u32 v0, $0x5;
	v1 =	vadd.s32 v1, v3  }
.LBB2_3:
0x40: {  	vm1 =	veq.s32 v0, $0x80000000;
	v3 =	vand.u32 $0x7, v0;
	v4 =	vshll.u32 v0, $0xD;
	v0 =	vld.msk [tilespmem:s17+$0x0 ss:$0x1], $0xffff;
	s16 =	sadd.s32 $0x10, s16  }
0x41: {  	v2 =	vand.u32 $0x1FFF, v2;
	v3 =	vsel vm1, $0xFFFFFFFF, v3;
	v4 =	vand.u32 $0x30000, v4;
	p1 =	slt.u32 s16, $0xF0  }
.Ltmp3:
0x42: {  	v4 =	vsel vm1, $0xFFFF0000, v4;
	v5 =	vand.u32 $0xFFFF0000, v3;
	v3 =	vshll.u32 v3, $0x7;
	(pc) =	sbr.rel @p1 .LBB2_3-.Ltmp3, $4  }
0x43: {  	s14 =	sadd.s32 $0x10, s14;
	v2 =	vsel vm1, $0xFFFFFFFF, v2;
	v4 =	vadd.s32 v5, v4;
	v3 =	vand.u32 $0x380, v3;
	(ifvalue) =	ssetifvalue $0x7FFFFFFF  }
0x44: {  	v5 =	vand.u32 $0x7F, v2;
	v2 =	vshll.u32 v2, $0x3;
	v3 =	vor.u32 v3, v4;
	[tilespmem:s14], [sflag:$0x1] =	stream.indirect_vreg.gather [hbm4b:s2+s10], $0x1, v1, vm0, $0x4038;
	[tilespmem:$0x400] =	vst v63  }
0x45: {  	v1 =	vand.u32 $0xFFFFFC00, v2;
	v3 =	vor.u32 v5, v3  }
0x46: {  	s17 =	sadd.s32 $0x10, s17;
	v2 =	vshrl.u32 v0, $0x5;
	v1 =	vadd.s32 v1, v3  }
.Ltmp4:
0x47: {  	_ = 	snop;
	(pc) =	sbr.rel .LBB2_4-.Ltmp4, $1  }
0x48: {  	_ =	sdelay $0x3  }
.LBB2_6:
0x49: {  	_ =	sfence.sel $0x180000  }
0x4a: {  	s2 =	simm.s32 $0x2;
	[bflag:$0x0] =	sbarrier.arrive $0xFFFF  }
0x4b: {  	s30 =	simm.s32 $0x3;
	[sflag:s2] =	ssyncpa.u1 $0x1  }
0x4c: {  	s31 =	simm.s32 $0x1;
	[sflag:s30] =	ssyncpa.u1 $0x1  }
0x4d: {  	[sflag:s31] =	ssyncpa.u1 $0x1  }
0x4e: {  	p0 =	sne.s32 s0, $0x0;
	_ =	strace $0x90000047  }
0x4f: {  	s0 =	sadd.s32 @!p0 $0x100000, s1;
	[bflag:$0x2] =	sbarrier.arrive $0xFFFF  }
0x50: {  	[sflag:s0] =	ssyncadd.tile.s32 @!p0 $0x1;
	_ =	shalt  }
.Lfunc_end2:
_tile_overlayer_lowered:
.L_overlay_start_2:
0x51: {  	(tag) =	ssettag $0x2  }
0x52: {  	s0 =	rddreg [dreg:$0x0];
	s2 =	stileid.u32  }
0x53: {  	s1 =	rddreg [dreg:$0x1];
	p0 =	sne.s32 s2, $0x0  }
0x54: {  	s3 =	rddreg [dreg:$0x2];
	[bflag:$0x3] =	sbarrier.arrive $0xFFFF;
	s2 =	simm.s32 @!p0 $0x1C01  }
0x55: {  	[timem:s3], [sflag:s2] =	dma.local @!p0 [hbm:s0], s1  }
0x56: {  	s0 =	simm.s32 @!p0 $0x1  }
0x57: {  	_ =	swait.ge @!p0 [sflag:s0], s1  }
0x58: {  	s1 =	ssub.s32 @!p0 $0x0, s1;
	[sflag:s0] =	ssyncset.done @!p0 $0x0  }
0x59: {  	[sflag:s0] =	ssyncadd.s32 @!p0 s1  }
0x5a: {  	[bflag:$0x3] =	sbarrier.arrive $0xFFFF  }
0x5b: {  	_ =	shalt  }

// kernel: kernel.4.cloned.1.call-start
scs
__scs_entry_jumppad:
0x0: {  	(pc) =	sbr.rel $0x88, $3  }
0x1: {  	(tag) =	ssettag $0x0;
	lr =	simm.s32 $0x1  }
0x2: {  	[smem:$0x3FA0] =	sst lr;
	_ =	strace $0xD0000000  }
0x3: {  	_ = 	snop  }
0x4: {  	_ = 	snop  }
0x5: {  	_ = 	snop  }
0x6: {  	_ = 	snop  }
0x7: {  	_ = 	snop  }
__scs_overlays_trampoline_lowered:
0x8: {  	[smem:$0x3FAF] =	sst s0  }
0x9: {  	[smem:$0x3FB0] =	sst s1  }
0xa: {  	[smem:$0x3FB1] =	sst s2  }
0xb: {  	[smem:$0x3FB2] =	sst s3  }
0xc: {  	[smem:$0x3FB3] =	sst s4  }
0xd: {  	[smem:$0x3FB4] =	sst s5  }
0xe: {  	[smem:$0x3FB5] =	sst s6  }
0xf: {  	[smem:$0x3FB6] =	sst s7  }
0x10: {  	[smem:$0x3FB7] =	sst s8  }
0x11: {  	[smem:$0x3FB8] =	sst s9;
	s0 =	simm.s32 @!p0 $0x0  }
0x12: {  	s1 =	sld [smem:$0x3F9E];
	s0 =	simm.s32 @p0 $0x1  }
0x13: {  	[smem:$0x3FB9] =	sst s0;
	s0 =	simm.s32 @!p1 $0x0  }
0x14: {  	s2 =	sld [smem:$0x3F9D];
	s0 =	simm.s32 @p1 $0x1  }
0x15: {  	[smem:$0x3FBA] =	sst s0;
	s0 =	simm.s32 @!p2 $0x0  }
0x16: {  	s3 =	sld [smem:$0x3FDB];
	s0 =	simm.s32 @p2 $0x1  }
0x17: {  	s4 =	simm.s32 $0x1BF5;
	[smem:$0x3FBC] =	sst s0  }
0x18: {  	s0 =	sld [smem:$0x3F9F];
	_ =	swait.ge [sflag:s4], $0x0  }
0x19: {  	s7 =	sld [smem:$0x3FA0]  }
0x1a: {  	s8 =	sadd.s32 $0xFFFFE003, lr  }
0x1b: {  	s9 =	sadd.s32 $0xFFFFFEF7, lr;
	s5 =	simm.s32 $0xFFFFFFFF;
	p2 =	slt.u32 s8, $0xFFFFF086  }
0x1c: {  	p1 =	slt.u32 s9, $0xF7A;
	s5 =	simm.s32 @!p2 $0x0  }
0x1d: {  	s5 =	simm.s32 @p1 $0x1;
	p0 =	seq.s32 s7, s2  }
0x1e: {  	s7 =	smul.u32 @!p0 $0xF7A, s2;
	p2 =	seq.s32 @!p0 s5, $0x0  }
0x1f: {  	s9 =	smul.u32 $0xF7A, s1;
	s8 =	simm.s32 @!p0 $0x1BF5;
	p2 =	por !p2, p0  }
0x20: {  	[sflag:s8] =	ssyncset.s32 @!p0 $0xFFFFF086;
	s6 =	sadd.s32 @!p0 s3, s7;
	s7 =	simm.s32 @!p0 $0x108  }
0x21: {  	s3 =	sadd.s32 s3, s9;
	s6 =	sadd.s32 @!p0 $0x88, s6;
	s7 =	simm.s32 @p2 $0x1082  }
0x22: {  	[simem:s7], [sflag:s8] =	dma.local @!p0 [hbm:s6], $0xF7A  }
0x23: {  	s9 =	sor.u32 $0xD0000000, s2;
	s6 =	simm.s32 $0x108;
	_ =	swait.ge @!p0 [sflag:s8], $0x0  }
0x24: {  	s3 =	sadd.s32 $0x88, s3;
	s6 =	simm.s32 @!p1 $0x1082;
	[sflag:s4] =	ssyncset.s32 $0xFFFFF086  }
0x25: {  	[simem:s6], [sflag:s4] =	dma.local [hbm:s3], $0xF7A  }
0x26: {  	[smem:$0x3FA0] =	sst s1;
	(tag) =	ssettag s2;
	_ =	strace s9  }
0x27: {  	s1 =	sld [smem:$0x3FB0]  }
0x28: {  	s2 =	sld [smem:$0x3FB1]  }
0x29: {  	s4 =	sld [smem:$0x3FB3]  }
0x2a: {  	p0 =	seq.s32 s5, $0x0;
	s5 =	sld [smem:$0x3FB4]  }
0x2b: {  	s6 =	sld [smem:$0x3FB5]  }
0x2c: {  	s7 =	sld [smem:$0x3FB6]  }
0x2d: {  	s3 =	simm.s32 $0x108;
	s8 =	sld [smem:$0x3FB7]  }
0x2e: {  	s3 =	simm.s32 @!p0 $0x1082;
	s9 =	sld [smem:$0x3FB8]  }
0x2f: {  	lr =	sadd.s32 s0, s3;
	s0 =	sld [smem:$0x3FAF]  }
0x30: {  	s3 =	sld [smem:$0x3FB2]  }
0x31: {  	[smem:$0x3FBB] =	sst s10  }
0x32: {  	s10 =	sld [smem:$0x3FB9];
	_ =	sdelay $0x3  }
0x33: {  	p0 =	seq.s32 s10, $0x1;
	s10 =	sld [smem:$0x3FBB];
	_ =	sdelay $0x3  }
0x34: {  	[smem:$0x3FBB] =	sst s10  }
0x35: {  	s10 =	sld [smem:$0x3FBA];
	_ =	sdelay $0x3  }
0x36: {  	p1 =	seq.s32 s10, $0x1;
	s10 =	sld [smem:$0x3FBB];
	_ =	sdelay $0x3  }
0x37: {  	[smem:$0x3FBB] =	sst s10  }
0x38: {  	s10 =	sld [smem:$0x3FBC]  }
0x39: {  	_ = 	snop;
	(pc) =	sbr.ind lr, $3  }
0x3a: {  	_ = 	snop  }
0x3b: {  	_ = 	snop  }
0x3c: {  	p2 =	seq.s32 s10, $0x1;
	s10 =	sld [smem:$0x3FBB]  }
0x3d: {  	_ =	shalt  }
0x3e: {  	_ =	shalt  }
0x3f: {  	_ =	shalt  }
0x40: {  	_ =	shalt  }
0x41: {  	_ =	shalt  }
0x42: {  	_ =	shalt  }
0x43: {  	_ =	shalt  }
0x44: {  	_ =	shalt  }
0x45: {  	_ =	shalt  }
0x46: {  	_ =	shalt  }
0x47: {  	_ =	shalt  }
0x48: {  	_ =	shalt  }
0x49: {  	_ =	shalt  }
0x4a: {  	_ =	shalt  }
0x4b: {  	_ =	shalt  }
0x4c: {  	_ =	shalt  }
0x4d: {  	_ =	shalt  }
0x4e: {  	_ =	shalt  }
0x4f: {  	_ =	shalt  }
0x50: {  	_ =	shalt  }
0x51: {  	_ =	shalt  }
0x52: {  	_ =	shalt  }
0x53: {  	_ =	shalt  }
0x54: {  	_ =	shalt  }
0x55: {  	_ =	shalt  }
0x56: {  	_ =	shalt  }
0x57: {  	_ =	shalt  }
0x58: {  	_ =	shalt  }
0x59: {  	_ =	shalt  }
0x5a: {  	_ =	shalt  }
0x5b: {  	_ =	shalt  }
0x5c: {  	_ =	shalt  }
0x5d: {  	_ =	shalt  }
0x5e: {  	_ =	shalt  }
0x5f: {  	_ =	shalt  }
0x60: {  	_ =	shalt  }
0x61: {  	_ =	shalt  }
0x62: {  	_ =	shalt  }
0x63: {  	_ =	shalt  }
0x64: {  	_ =	shalt  }
0x65: {  	_ =	shalt  }
0x66: {  	_ =	shalt  }
0x67: {  	_ =	shalt  }
0x68: {  	_ =	shalt  }
0x69: {  	_ =	shalt  }
0x6a: {  	_ =	shalt  }
0x6b: {  	_ =	shalt  }
0x6c: {  	_ =	shalt  }
0x6d: {  	_ =	shalt  }
0x6e: {  	_ =	shalt  }
0x6f: {  	_ =	shalt  }
0x70: {  	_ =	shalt  }
0x71: {  	_ =	shalt  }
0x72: {  	_ =	shalt  }
0x73: {  	_ =	shalt  }
0x74: {  	_ =	shalt  }
0x75: {  	_ =	shalt  }
0x76: {  	_ =	shalt  }
0x77: {  	_ =	shalt  }
0x78: {  	_ =	shalt  }
0x79: {  	_ =	shalt  }
0x7a: {  	_ =	shalt  }
0x7b: {  	_ =	shalt  }
0x7c: {  	_ =	shalt  }
0x7d: {  	_ =	shalt  }
0x7e: {  	_ =	shalt  }
0x7f: {  	_ =	shalt  }
0x80: {  	_ =	shalt  }
0x81: {  	_ =	shalt  }
0x82: {  	_ =	shalt  }
0x83: {  	_ =	shalt  }
0x84: {  	_ =	shalt  }
0x85: {  	_ =	shalt  }
0x86: {  	_ =	shalt  }
0x87: {  	_ =	shalt  }
.Lfunc_end0:
.L_simem_size_0:
called_computation.2_lowered:
.L_overlay_start_0:
0x88: {  	s2 =	sld [smem:$0x3FD9]  }
0x89: {  	s3 =	sld [smem:$0x3FFE];
	_ =	sdelay $0x1  }
0x8a: {  	s1 =	srdreg.scid  }
0x8b: {  	s0 =	sand.u32 $0x1, s1  }
0x8c: {  	s14 =	sshll.u32 s0, $0xA;
	s2 =	sadd.s32 s3, s2  }
0x8d: {  	s2 =	sadd.s32 s2, s14  }
0x8e: {  	[smem:$0x3FC7] =	sst s2  }
0x8f: {  	_ = 	snop  }
0x90: {  	s2 =	sld [smem:$0x3FD0];
	_ =	sdelay $0x2  }
0x91: {  	s15 =	simm.s32 $0xA;
	s4 =	simm.s32 $0x10  }
0x92: {  	[smem:s4], [sflag:s15] =	dma.local [hbm:s2], $0x1  }
0x93: {  	_ =	swait.eq [sflag:s15], $0x1  }
0x94: {  	[sflag:s15] =	ssyncset.done $0x0  }
0x95: {  	[sflag:s15] =	ssyncadd.s32 $0xFFFFFFFF  }
0x96: {  	s16 =	sld [smem:$0x10];
	(tm) =	ssettm $0x1  }
0x97: {  	s17 =	sld [smem:$0x3FFB];
	_ =	sdelay $0x3  }
0x98: {  	_ =	strace s17  }
0x99: {  	s3 =	sld [smem:$0x3FFC];
	_ =	sdelay $0x3  }
0x9a: {  	_ =	strace s3  }
0x9b: {  	s3 =	sld [smem:$0x3FFD];
	_ =	sdelay $0x3  }
0x9c: {  	_ =	strace s3  }
0x9d: {  	_ =	strace $0x8FFFFFFF  }
0x9e: {  	s18 =	sld [smem:$0x3FDB];
	_ =	sdelay $0x1  }
0x9f: {  	s19 =	simm.s32 $_scs_section_size  }
0xa0: {  	s5 =	simm.s32 $_size__tile_overlayer_lowered;
	s6 =	simm.s32 $_tile_overlayer_lowered  }
0xa1: {  	s22 =	simm.s32 $0x1BFF;
	s21 =	sshll.u32 s6, $0x1;
	s3 =	sadd.s32 s19, s18  }
0xa2: {  	s7 =	simm.s32 $0x0;
	s20 =	sshll.u32 s5, $0x1;
	s5 =	sadd.s32 s21, s3  }
0xa3: {  	[timem:s7], [sflag:s22] =	dma.local [hbm:s5], s20  }
0xa4: {  	_ =	swait.ge [sflag:s22], s20  }
0xa5: {  	s4 =	ssub.s32 $0x0, s20;
	[sflag:s22] =	ssyncset.done $0x0  }
0xa6: {  	[sflag:s22] =	ssyncadd.s32 s4;
	_ =	sdelay $0x1  }
0xa7: {  	s23 =	simm.s32 $0x1B8B  }
0xa8: {  	_ =	swait.ge [sflag:s23], $0x1  }
0xa9: {  	[sflag:s23] =	ssyncset.done $0x0  }
0xaa: {  	s25 =	simm.s32 $0x1B8E;
	s24 =	sld [smem:$0x3FFE];
	[sflag:s23] =	ssyncadd.s32 $0xFFFFFFFF  }
0xab: {  	s26 =	simm.s32 $execute0_lowered;
	[smem:$0x3FD2] =	sst s25  }
0xac: {  	s5 =	sshll.u32 s26, $0x1;
	_ =	strace $0x8000004C;
	[dreg:$0x1] =	wrdreg $0xFFFFFFFF  }
0xad: {  	s28 =	simm.s32 $_size_execute0_lowered;
	s3 =	sadd.s32 s3, s5;
	[dreg:$0x0] =	wrdreg $0x0  }
0xae: {  	s5 =	sshll.u32 s28, $0x1;
	[dreg:$0x2] =	wrdreg s3  }
0xaf: {  	[dreg:$0x3] =	wrdreg s5  }
0xb0: {  	[dreg:$0x4] =	wrdreg $0xC0  }
0xb1: {  	_ =	task [dreg:s7], $0x5FFFF  }
0xb2: {  	[dreg:$0x1] =	wrdreg $0xFFFFFFFF  }
0xb3: {  	[dreg:$0x0] =	wrdreg $0x60  }
0xb4: {  	[dreg:$0x2] =	wrdreg s16  }
0xb5: {  	[dreg:$0x3] =	wrdreg s24  }
0xb6: {  	[dreg:$0x4] =	wrdreg $0x9  }
0xb7: {  	_ =	task.clear_ibuf [dreg:s7], $0x5FFFF;
	_ =	strace $0x9000004C  }
0xb8: {  	s29 =	simm.s32 $0x9;
	_ =	strace $0x8000004E  }
0xb9: {  	_ =	swait.ge [sflag:s29], $0x1  }
0xba: {  	[sflag:s29] =	ssyncadd.s32 $0xFFFFFFFF  }
0xbb: {  	_ =	strace $0x9000004E  }
0xbc: {  	_ =	sfence  }
0xbd: {  	s30 =	sld [smem:$0x0];
	_ =	sdelay $0x2  }
0xbe: {  	s31 =	sshll.u32 s1, $0xD;
	s1 =	sshrl.u32 s1, $0x2  }
0xbf: {  	s3 =	sand.u32 $0x4000, s31;
	s1 =	sadd.s32 s1, s30  }
0xc0: {  	s0 =	sor.u32 s3, s0;
	s1 =	sshll.u32 s1, $0x11  }
0xc1: {  	s0 =	sor.u32 s1, s0  }
0xc2: {  	s0 =	sadd.s32 $0x8F2B, s0  }
0xc3: {  	[sflag:s0] =	ssyncadd.remote.s32 $0x1  }
0xc4: {  	_ =	sfence.sel $0xFFFF  }
0xc5: {  	[dreg:$0x0] =	wrdreg $0xFFFFFFFF;
	(pc) =	sbr.abs _section_cstart, $3  }
0xc6: {  	[dreg:$0x1] =	wrdreg $0xFFFFFFFF  }
0xc7: {  	_ =	task.clear_ibuf [dreg:s7], $0x2FFFF;
	_ =	strace $0x9FFFFFFF  }
0xc8: {  	(tm) =	ssettm $0x7FFFFFFF  }
0xc9: {  	_ =	shalt  }
tec
execute0_lowered:
.L_overlay_start_1:
0x0: {  	(tag) =	ssettag $0x1  }
0x1: {  	s3 =	rddreg [dreg:$0x0]  }
0x2: {  	s5 =	rddreg [dreg:$0x1]  }
0x3: {  	s0 =	rddreg [dreg:$0x2];
	s4 =	srdreg.scid  }
0x4: {  	s1 =	stileid.u32;
	s2 =	simm.s32 $0x0;
	s11 =	simm.s32 $0x1000  }
0x5: {  	s12 =	simm.s32 $0x0;
	s4 =	sand.u32 $0x1, s4;
	s6 =	sshll.u32 s1, $0x1  }
0x6: {  	[smem:$0x7FF] =	sst s2;
	s10 =	sshll.u32 s1, $0xD;
	s6 =	sor.u32 s4, s6  }
0x7: {  	_ =	strace $0x8000004D;
	s4 =	ssub.s32 $0x2, s4;
	s31 =	sand.u32 $0x1C000, s10  }
0x8: {  	s10 =	simm.s32 $0x80;
	s7 =	sshll.u32 s6, $0x8;
	s8 =	sshll.u32 s6, $0xD  }
0x9: {  	s9 =	sshrl.u32 s4, $0x1;
	s6 =	sshll.u32 s6, $0x9;
	s7 =	sadd.s32 s7, s5  }
0xa: {  	s8 =	sadd.s32 s8, s5;
	s9 =	ssub.s32 s4, s9;
	s3 =	sadd.s32 s3, s6  }
0xb: {  	s5 =	sadd.s32 s5, s31;
	s4 =	sadd.s32 $0x20000, s7;
	s6 =	sadd.s32 $0x22000, s8  }
0xc: {  	s7 =	smax.u32 s9, $0x1;
	s8 =	simm.s32 $0x1;
	s9 =	simm.s32 $0x11000  }
.LBB2_1:
0xd: {  	[tilespmem:s2], [sflag:$0x1] =	stream.linear.gather [hbm4b:s3+s2], $0x1000, $0x38;
	[tilespmem:$0x11800] =	vst v63  }
0xe: {  	_ =	swait.ge [sflag:s8], $0x1000  }
0xf: {  	[sflag:s8] =	ssyncset.done $0x0  }
0x10: {  	[sflag:s8] =	ssyncadd.s32 $0xFFFFF000  }
0x11: {  	[tilespmem:s9], [sflag:$0x1] =	stream.linear.gather [hbm4b:s4+s2], $0x800, $0x38;
	[tilespmem:$0x11800] =	vst v63  }
0x12: {  	_ =	swait.ge [sflag:s8], $0x800  }
0x13: {  	[sflag:s8] =	ssyncset.done $0x0  }
0x14: {  	s13 =	simm.s32 $0x1000;
	s14 =	simm.s32 $0x0;
	[sflag:s8] =	ssyncadd.s32 $0xFFFFF800  }
.LBB2_2:
0x15: {  	p0 =	sne.s32 s14, $0x3E00  }
.Ltmp0:
0x16: {  	s15 =	sshra.s32 s14, $0x2;
	(pc) =	sbr.rel @p0 .LBB2_2-.Ltmp0, $4  }
0x17: {  	[tilespmem:s13], [sflag:$0x1] =	stream.indirect.gather [hbm4b:s5+s10], $0x10, s15, s10, $0xb8;
	[tilespmem:$0x11800] =	vst v63  }
0x18: {  	_ =	swait.ge [sflag:s8], $0x800  }
0x19: {  	[sflag:s8] =	ssyncset.done $0x0  }
0x1a: {  	s14 =	sadd.s32 $0x200, s14;
	s13 =	sadd.s32 $0x800, s13;
	[sflag:s8] =	ssyncadd.s32 $0xFFFFF800  }
0x1b: {  	s13 =	simm.s32 $0x0;
	s14 =	simm.s32 $0x1000  }
.LBB2_4:
0x1c: {  	v0 =	vmov s14;
	_ =	sdelay $0x1  }
0x1d: {  	s15 =	sshll.u32 s13, $0x4  }
0x1e: {  	s15 =	sand.u32 $0x3FFFFFF0, s15  }
0x1f: {  	s16 =	simm.s32 $0x40;
	v1 =	vld [tilespmem:s15+$0x11000];
	s15 =	simm.s32 $0x0  }
.LBB2_5:
0x20: {  	p0 =	sne.s32 s16, $0x7C0;
	v2 =	vld.idx.msk [tilespmem:v0+s15+$0x0 ss:$0x1], $0xffff;
	_ =	sdelay $0x3  }
.Ltmp1:
0x21: {  	(pc) =	sbr.rel @p0 .LBB2_5-.Ltmp1, $3  }
0x22: {  	_ = 	snop  }
0x23: {  	v2 =	vsub.f32 v2, v1;
	_ =	sdelay $0x1  }
0x24: {  	[tilespmem:v0+s15+$0x0 ss:$0x1] =	vst.idx.msk $0xffff, v2;
	s15 =	sshra.s32 s16, $0x2;
	s16 =	sadd.s32 $0x40, s16  }
0x25: {  	_ =	sdelay $0x3  }
0x26: {  	v2 =	vld.idx.msk [tilespmem:v0+s15+$0x0 ss:$0x1], $0xffff  }
0x27: {  	s13 =	sadd.s32 $0x1, s13  }
0x28: {  	p0 =	sne.s32 s13, $0x80  }
.Ltmp2:
0x29: {  	_ = 	snop;
	(pc) =	sbr.rel @p0 .LBB2_4-.Ltmp2, $3  }
0x2a: {  	_ = 	snop  }
0x2b: {  	v1 =	vsub.f32 v2, v1;
	_ =	sdelay $0x1  }
0x2c: {  	s14 =	sadd.s32 $0x200, s14;
	[tilespmem:v0+s15+$0x0 ss:$0x1] =	vst.idx.msk $0xffff, v1  }
0x2d: {  	s12 =	sadd.s32 $0x1, s12  }
0x2e: {  	p0 =	sne.s32 s12, s7  }
.Ltmp3:
0x2f: {  	_ = 	snop;
	(pc) =	sbr.rel @p0 .LBB2_1-.Ltmp3, $4  }
0x30: {  	[hbm4b:s6+s2] =	stream.linear.scatter [tilespmem:s11], [sflag:$0x1], $0x10000, $0x38;
	[tilespmem:$0x11800] =	vst v63  }
0x31: {  	_ =	swait.ge [sflag:s8], $0x10000  }
0x32: {  	[sflag:s8] =	ssyncset.done $0x0  }
0x33: {  	[sflag:s8] =	ssyncadd.s32 $0xFFFF0000  }
0x34: {  	_ =	sfence.sel $0x180000  }
0x35: {  	[bflag:$0x0] =	sbarrier.arrive $0xFFFF  }
0x36: {  	p0 =	sne.s32 s1, $0x0;
	_ =	strace $0x9000004D  }
0x37: {  	s0 =	sadd.s32 @!p0 $0x100000, s0;
	[bflag:$0x2] =	sbarrier.arrive $0xFFFF  }
0x38: {  	[sflag:s0] =	ssyncadd.tile.s32 @!p0 $0x1;
	_ =	shalt  }
.Lfunc_end2:
_tile_overlayer_lowered:
.L_overlay_start_2:
0x39: {  	(tag) =	ssettag $0x2  }
0x3a: {  	s0 =	rddreg [dreg:$0x0];
	s2 =	stileid.u32  }
0x3b: {  	s1 =	rddreg [dreg:$0x1];
	p0 =	sne.s32 s2, $0x0  }
0x3c: {  	s3 =	rddreg [dreg:$0x2];
	[bflag:$0x3] =	sbarrier.arrive $0xFFFF;
	s2 =	simm.s32 @!p0 $0x1C01  }
0x3d: {  	[timem:s3], [sflag:s2] =	dma.local @!p0 [hbm:s0], s1  }
0x3e: {  	s0 =	simm.s32 @!p0 $0x1  }
0x3f: {  	_ =	swait.ge @!p0 [sflag:s0], s1  }
0x40: {  	s1 =	ssub.s32 @!p0 $0x0, s1;
	[sflag:s0] =	ssyncset.done @!p0 $0x0  }
0x41: {  	[sflag:s0] =	ssyncadd.s32 @!p0 s1  }
0x42: {  	[bflag:$0x3] =	sbarrier.arrive $0xFFFF  }
0x43: {  	_ =	shalt  }

// kernel: sparse-core-data-format-call.cloned.1.call-start
scs
called_computation_lowered:
.L_overlay_start_0:
0x0: {  	s1 =	sld [smem:$0x3FD9]  }
0x1: {  	s2 =	sld [smem:$0x3FFE];
	_ =	sdelay $0x1  }
0x2: {  	s3 =	srdreg.scid  }
0x3: {  	s0 =	sand.u32 $0x1, s3  }
0x4: {  	s17 =	sshll.u32 s0, $0xA;
	s1 =	sadd.s32 s2, s1  }
0x5: {  	s1 =	sadd.s32 s1, s17  }
0x6: {  	[smem:$0x3FC7] =	sst s1  }
0x7: {  	_ = 	snop  }
0x8: {  	(tm) =	ssettm $0x1  }
0x9: {  	s18 =	sld [smem:$0x3FFB];
	_ =	sdelay $0x3  }
0xa: {  	_ =	strace s18  }
0xb: {  	s1 =	sld [smem:$0x3FFC];
	_ =	sdelay $0x3  }
0xc: {  	_ =	strace s1  }
0xd: {  	s1 =	sld [smem:$0x3FFD];
	_ =	sdelay $0x3  }
0xe: {  	_ =	strace s1  }
0xf: {  	_ =	strace $0x8FFFFFFF  }
0x10: {  	s19 =	sld [smem:$0x3FDB];
	_ =	sdelay $0x1  }
0x11: {  	s20 =	simm.s32 $_scs_section_size  }
0x12: {  	s4 =	simm.s32 $_size__tile_overlayer_lowered;
	s5 =	simm.s32 $_tile_overlayer_lowered  }
0x13: {  	s23 =	simm.s32 $0x1BFF;
	s22 =	sshll.u32 s5, $0x1;
	s1 =	sadd.s32 s20, s19  }
0x14: {  	s6 =	simm.s32 $0x0;
	s21 =	sshll.u32 s4, $0x1;
	s4 =	sadd.s32 s22, s1  }
0x15: {  	[timem:s6], [sflag:s23] =	dma.local [hbm:s4], s21  }
0x16: {  	_ =	swait.ge [sflag:s23], s21  }
0x17: {  	s2 =	ssub.s32 $0x0, s21;
	[sflag:s23] =	ssyncset.done $0x0  }
0x18: {  	[sflag:s23] =	ssyncadd.s32 s2;
	_ =	sdelay $0x1  }
0x19: {  	s24 =	simm.s32 $0x1B8B  }
0x1a: {  	_ =	swait.ge [sflag:s24], $0x1  }
0x1b: {  	[sflag:s24] =	ssyncset.done $0x0  }
0x1c: {  	s26 =	simm.s32 $0x1B8E;
	s25 =	sld [smem:$0x3FFE];
	[sflag:s24] =	ssyncadd.s32 $0xFFFFFFFF  }
0x1d: {  	s27 =	simm.s32 $execute0_lowered;
	[smem:$0x3FD2] =	sst s26  }
0x1e: {  	s4 =	sshll.u32 s27, $0x1;
	_ =	strace $0x80000049;
	[dreg:$0x1] =	wrdreg $0xFFFFFFFF  }
0x1f: {  	s28 =	simm.s32 $_size_execute0_lowered;
	s1 =	sadd.s32 s1, s4;
	[dreg:$0x0] =	wrdreg $0x0  }
0x20: {  	s4 =	sshll.u32 s28, $0x1;
	[dreg:$0x2] =	wrdreg s1  }
0x21: {  	[dreg:$0x3] =	wrdreg s4  }
0x22: {  	[dreg:$0x4] =	wrdreg $0xC0  }
0x23: {  	_ =	task [dreg:s6], $0x5FFFF  }
0x24: {  	[dreg:$0x1] =	wrdreg $0xFFFFFFFF  }
0x25: {  	[dreg:$0x0] =	wrdreg $0x60  }
0x26: {  	[dreg:$0x2] =	wrdreg s25  }
0x27: {  	[dreg:$0x3] =	wrdreg $0x9  }
0x28: {  	_ =	task.clear_ibuf [dreg:s6], $0x4FFFF;
	_ =	strace $0x90000049  }
0x29: {  	s29 =	simm.s32 $0x9;
	_ =	strace $0x8000004B  }
0x2a: {  	_ =	swait.ge [sflag:s29], $0x1  }
0x2b: {  	[sflag:s29] =	ssyncadd.s32 $0xFFFFFFFF  }
0x2c: {  	_ =	strace $0x9000004B  }
0x2d: {  	_ =	sfence  }
0x2e: {  	s30 =	sld [smem:$0x0];
	_ =	sdelay $0x2  }
0x2f: {  	s31 =	sshll.u32 s3, $0xD;
	s3 =	sshrl.u32 s3, $0x2  }
0x30: {  	s2 =	sand.u32 $0x4000, s31;
	s1 =	sadd.s32 s3, s30  }
0x31: {  	s0 =	sor.u32 s2, s0;
	s1 =	sshll.u32 s1, $0x11  }
0x32: {  	s0 =	sor.u32 s1, s0  }
0x33: {  	s0 =	sadd.s32 $0x8F2B, s0  }
0x34: {  	[sflag:s0] =	ssyncadd.remote.s32 $0x1  }
0x35: {  	_ =	sfence.sel $0xFFFF  }
0x36: {  	[dreg:$0x0] =	wrdreg $0xFFFFFFFF;
	(pc) =	sbr.abs _section_cstart, $3  }
0x37: {  	[dreg:$0x1] =	wrdreg $0xFFFFFFFF  }
0x38: {  	_ =	task.clear_ibuf [dreg:s6], $0x2FFFF;
	_ =	strace $0x9FFFFFFF  }
0x39: {  	(tm) =	ssettm $0x7FFFFFFF  }
tec
execute0_lowered:
.L_overlay_start_1:
0x0: {  	(tag) =	ssettag $0x1  }
0x1: {  	s0 =	stileid.u32;
	s1 =	srdreg.scid  }
0x2: {  	s4 =	rddreg [dreg:$0x0];
	s7 =	simm.s32 $0x1;
	s31 =	simm.s32 $0x2  }
0x3: {  	s16 =	simm.s32 $0x0;
	s2 =	sshll.u32 s0, $0x4;
	s1 =	sshll.u32 s1, $0x8  }
0x4: {  	s9 =	simm.s32 $0x1000;
	s14 =	simm.s32 $0x0;
	s1 =	sor.u32 s2, s1  }
0x5: {  	s15 =	simm.s32 $0x0;
	s10 =	simm.s32 $0x0;
	s2 =	sand.u32 $0x180, s1  }
0x6: {  	s13 =	simm.s32 $0x0;
	s3 =	sadd.s32 $0x110400, s4;
	s5 =	ssub.s32 $0x200, s2  }
0x7: {  	s4 =	sadd.s32 $0x510400, s4;
	s1 =	rddreg [dreg:$0x1];
	s6 =	sand.u32 $0x180, s5  }
.Ltmp0:
0x8: {  	_ =	strace $0x8000004A;
	p0 =	sne.s32 s6, $0x0;
	(pc) =	sbr.rel .LBB1_1-.Ltmp0, $4  }
0x9: {  	s11 =	smov.u32 s2;
	s8 =	sshrl.u32 s5, $0x9;
	s7 =	simm.s32 @!p0 $0x0  }
0xa: {  	s5 =	sand.u32 $0x7, s0;
	s6 =	simm.s32 $0x1;
	s7 =	sadd.s32 s7, s8  }
0xb: {  	s12 =	smov.u32 s5;
	[sflag:s6] =	ssyncpa.u1 $0x0;
	s7 =	sshll.u32 s7, $0x6  }
0xc: {  	p0 =	por $0x0, $0x0;
	[sflag:s31] =	ssyncpa.u1 $0x0;
	s8 =	sor.u32 $0x1, s7  }
.LBB1_4:
0xd: {  	v5 =	vld [tilespmem:s19+$0xFFFFFFD0]  }
0xe: {  	[tilespmem:s20+$0x2040 ss:$0x81] =	vst.msk $0xffff, v1;
	v58 =	vld [tilespmem:s19+$0xFFFFFFE0]  }
0xf: {  	[tilespmem:s20+$0x2850 ss:$0x81] =	vst.msk $0xffff, v2;
	v59 =	vld [tilespmem:s19+$0xFFFFFFF0]  }
0x10: {  	s21 =	sshra.s32 s21, $0x2;
	[tilespmem:s20+$0x3060 ss:$0x81] =	vst.msk $0xffff, v3;
	v60 =	vld [tilespmem:s19+$0x0]  }
0x11: {  	[tilespmem:s20+$0x0 ss:$0x81] =	vst.msk $0xffff, v0;
	v61 =	vld [tilespmem:s19+$0x10];
	s18 =	sadd.s32 s21, s18  }
0x12: {  	s25 =	sshll.u32 s16, $0x9;
	v62 =	vld [tilespmem:s19+$0x20];
	[tilespmem:s18+$0x3870 ss:$0x81] =	vst.msk $0xffff, v4  }
0x13: {  	s26 =	sshll.u32 s14, $0x3;
	s27 =	sshll.u32 s16, $0x7;
	v63 =	vld [tilespmem:s19+$0xFFFFFFC0];
	s30 =	sand.u32 $0x78, s14;
	[tilespmem:s18+$0x810 ss:$0x81] =	vst.msk $0xffff, v5  }
0x14: {  	s15 =	sshll.u32 s15, $0x13;
	s20 =	sand.u32 $0x3FF000, s25;
	s21 =	sand.u32 $0x3FFC00, s26;
	[tilespmem:s18+$0x1020 ss:$0x81] =	vst.msk $0xffff, v58  }
0x15: {  	s29 =	sand.u32 $0x200, s27;
	s16 =	sand.u32 $0x180, s27;
	s28 =	sadd.s32 s21, s20;
	[tilespmem:s18+$0x1830 ss:$0x81] =	vst.msk $0xffff, v59  }
0x16: {  	s31 =	sand.u32 $0x7, s14;
	s16 =	sor.u32 s30, s16;
	s19 =	sor.u32 s29, s28;
	[tilespmem:s18+$0x2040 ss:$0x81] =	vst.msk $0xffff, v60  }
0x17: {  	s15 =	sadd.s32 s4, s15;
	s16 =	sshrl.u32 s16, $0x3;
	s19 =	sshrl.u32 s19, $0x3;
	[tilespmem:s18+$0x2850 ss:$0x81] =	vst.msk $0xffff, v61  }
0x18: {  	s14 =	sshll.u32 s31, $0x12;
	s15 =	sadd.s32 s16, s15;
	[tilespmem:s18+$0x3060 ss:$0x81] =	vst.msk $0xffff, v62;
	s19 =	sand.u32 $0x7FFC0, s19  }
0x19: {  	s14 =	sor.u32 $0x400, s14;
	[tilespmem:s18+$0x0 ss:$0x81] =	vst.msk $0xffff, v63;
	s15 =	sadd.s32 s19, s15  }
0x1a: {  	[hbm4b:s15+s14] =	stream.strided.scatter [tilespmem:s17], [sflag:$0x2], $0x4000, s9, s14, $0x20;
	[tilespmem:$0x10100] =	vst v63  }
.LBB1_5:
0x1b: {  	s17 =	sadd.s32 $0x80, s10  }
0x1c: {  	s14 =	sadd.s32 $0x200, s11;
	s18 =	smov.u32 s11;
	p2 =	sgt.s32 s17, $0x1FFF  }
0x1d: {  	s18 =	smov.u32 @p2 s14  }
0x1e: {  	s20 =	smov.u32 s12;
	s14 =	sadd.s32 $0x8, s12;
	p3 =	sgt.s32 s18, $0x1FF  }
0x1f: {  	s20 =	smov.u32 @p3 s14  }
0x20: {  	s17 =	simm.s32 @p2 $0x0;
	p2 =	sgt.s32 s20, $0x7  }
0x21: {  	p1 =	slt.u32 s13, $0x2;
	s20 =	smov.u32 @p2 s5;
	p2 =	sne.s32 s13, s8  }
.Ltmp1:
0x22: {  	s19 =	simm.s32 @!p1 $0x2;
	(pc) =	sbr.rel @!p2 .LBB1_6-.Ltmp1, $4  }
0x23: {  	s16 =	smov.u32 s10;
	s15 =	smov.u32 s12;
	_ =	swait.ge @!p1 [sflag:s19], $0x4000  }
0x24: {  	p0 =	por !p0, !p0;
	[sflag:s19] =	ssyncset.done @!p1 $0x0;
	s10 =	smov.u32 s17  }
0x25: {  	s18 =	smov.u32 @p3 s2;
	s14 =	smov.u32 s11;
	[sflag:s19] =	ssyncadd.s32 @!p1 $0xFFFFC000  }
0x26: {  	s11 =	smov.u32 s18;
	s13 =	sadd.s32 $0x1, s13;
	s12 =	smov.u32 s20  }
.LBB1_1:
0x27: {  	p1 =	sge.u32 s13, s7;
	s31 =	sadd.s32 $0xFFFFFFFF, s13  }
0x28: {  	s17 =	sxor.u32 @!p1 $0xFFFFFFFF, s13;
	s18 =	sand.u32 @!p1 $0x78, s10;
	s19 =	sshll.u32 @!p1 s11, $0xD  }
0x29: {  	s20 =	sshll.u32 @!p1 s11, $0x7;
	s21 =	sshll.u32 @!p1 s10, $0x3;
	s17 =	sshll.u32 @!p1 s17, $0xE  }
0x2a: {  	s19 =	sand.u32 @!p1 $0x3F0000, s19;
	s20 =	sand.u32 @!p1 $0x380, s20;
	s17 =	sand.u32 @!p1 $0x4000, s17  }
0x2b: {  	s19 =	sadd.s32 @!p1 s19, s21;
	s21 =	sand.u32 @!p1 $0x1C00, s21;
	s18 =	sor.u32 @!p1 s20, s18  }
0x2c: {  	s20 =	sshll.u32 @!p1 s12, $0x13;
	s18 =	sor.u32 @!p1 s21, s18;
	s19 =	sshrl.u32 @!p1 s19, $0x3  }
0x2d: {  	s20 =	sadd.s32 @!p1 s3, s20;
	s21 =	sand.u32 @!p1 $0x7, s10;
	s19 =	sand.u32 @!p1 $0x7FC00, s19  }
0x2e: {  	s18 =	sshrl.u32 @!p1 s18, $0x3;
	s19 =	sadd.s32 @!p1 s19, s20;
	s20 =	sshll.u32 @!p1 s21, $0x12  }
0x2f: {  	s18 =	sadd.s32 @!p1 s18, s19;
	s19 =	sor.u32 @!p1 $0x400, s20;
	s20 =	simm.s32 @!p1 $0x10000  }
0x30: {  	[tilespmem:s17], [sflag:$0x1] =	stream.strided.gather @!p1 [hbm4b:s18+s19], $0x4000, s20, s19, $0x38;
	[tilespmem:$0x10100] =	vst v63  }
0x31: {  	p1 =	sge.u32 s31, s7  }
.Ltmp2:
0x32: {  	_ = 	snop;
	(pc) =	sbr.rel @p1 .LBB1_5-.Ltmp2, $1  }
0x33: {  	_ =	sdelay $0x3  }
0x34: {  	s17 =	simm.s32 $0x1  }
0x35: {  	_ =	swait.ge [sflag:s6], $0x4000;
	s17 =	simm.s32 @!p0 $0x0  }
0x36: {  	[sflag:s6] =	ssyncset.done $0x0;
	s18 =	sshll.u32 s17, $0xE  }
0x37: {  	[sflag:s6] =	ssyncadd.s32 $0xFFFFC000;
	s19 =	sor.u32 $0x40, s18  }
0x38: {  	s17 =	smul.u32 $0x10200, s17;
	v0 =	vld [tilespmem:s19+$0x30]  }
0x39: {  	v3 =	vld [tilespmem:s19+$0xFFFFFFD0]  }
0x3a: {  	s17 =	sshrl.u32 s17, $0x2;
	v4 =	vld [tilespmem:s19+$0xFFFFFFE0]  }
0x3b: {  	v5 =	vld [tilespmem:s19+$0xFFFFFFF0];
	s18 =	sor.u32 $0x8000, s17  }
0x3c: {  	s31 =	sand.u32 $0x1, s13;
	v1 =	vld [tilespmem:s19+$0x0];
	s20 =	sadd.s32 $0x0, s18  }
0x3d: {  	v2 =	vld [tilespmem:s19+$0x10];
	s17 =	smul.u32 $0x10200, s31;
	[tilespmem:s20+$0x3870 ss:$0x81] =	vst.msk $0xffff, v0  }
0x3e: {  	[tilespmem:s20+$0x810 ss:$0x81] =	vst.msk $0xffff, v3;
	v3 =	vld [tilespmem:s19+$0x20]  }
0x3f: {  	s17 =	sshrl.u32 s17, $0x2;
	v0 =	vld [tilespmem:s19+$0xFFFFFFC0];
	[tilespmem:s20+$0x1020 ss:$0x81] =	vst.msk $0xffff, v4;
	s19 =	sadd.s32 $0x80, s19  }
0x40: {  	s21 =	simm.s32 $0x4;
	s22 =	simm.s32 $0x8;
	s17 =	sor.u32 $0x8000, s17;
	[tilespmem:s20+$0x1830 ss:$0x81] =	vst.msk $0xffff, v5;
	v4 =	vld [tilespmem:s19+$0x30]  }
.LBB1_3:
0x41: {  	p1 =	sne.s32 s22, $0x1FC;
	v5 =	vld [tilespmem:s19+$0xFFFFFFD0];
	[tilespmem:s20+$0x2040 ss:$0x81] =	vst.msk $0xffff, v1  }
0x42: {  	v6 =	vld [tilespmem:s19+$0xFFFFFFE0];
	[tilespmem:s20+$0x2850 ss:$0x81] =	vst.msk $0xffff, v2  }
0x43: {  	s23 =	sshra.s32 s21, $0x2;
	s21 =	smov.u32 s22;
	v7 =	vld [tilespmem:s19+$0xFFFFFFF0];
	[tilespmem:s20+$0x3060 ss:$0x81] =	vst.msk $0xffff, v3  }
.Ltmp3:
0x44: {  	v1 =	vld [tilespmem:s19+$0x0];
	[tilespmem:s20+$0x0 ss:$0x81] =	vst.msk $0xffff, v0;
	s20 =	sadd.s32 s23, s18;
	(pc) =	sbr.rel @p1 .LBB1_3-.Ltmp3, $4  }
0x45: {  	v2 =	vld [tilespmem:s19+$0x10];
	[tilespmem:s20+$0x3870 ss:$0x81] =	vst.msk $0xffff, v4  }
0x46: {  	[tilespmem:s20+$0x810 ss:$0x81] =	vst.msk $0xffff, v5;
	v3 =	vld [tilespmem:s19+$0x20]  }
0x47: {  	v0 =	vld [tilespmem:s19+$0xFFFFFFC0];
	[tilespmem:s20+$0x1020 ss:$0x81] =	vst.msk $0xffff, v6;
	s19 =	sadd.s32 $0x80, s19  }
0x48: {  	s22 =	sadd.s32 $0x4, s22;
	v4 =	vld [tilespmem:s19+$0x30];
	[tilespmem:s20+$0x1830 ss:$0x81] =	vst.msk $0xffff, v7  }
.Ltmp4:
0x49: {  	_ = 	snop;
	(pc) =	sbr.rel .LBB1_4-.Ltmp4, $1  }
0x4a: {  	_ =	sdelay $0x3  }
.LBB1_6:
0x4b: {  	_ =	sfence.sel $0x180000  }
0x4c: {  	s2 =	simm.s32 $0x1;
	[bflag:$0x0] =	sbarrier.arrive $0xFFFF  }
0x4d: {  	s31 =	simm.s32 $0x2;
	[sflag:s2] =	ssyncpa.u1 $0x1  }
0x4e: {  	[sflag:s31] =	ssyncpa.u1 $0x1  }
0x4f: {  	p0 =	sne.s32 s0, $0x0;
	_ =	strace $0x9000004A  }
0x50: {  	s0 =	sadd.s32 @!p0 $0x100000, s1;
	[bflag:$0x2] =	sbarrier.arrive $0xFFFF  }
0x51: {  	[sflag:s0] =	ssyncadd.tile.s32 @!p0 $0x1;
	_ =	shalt  }
.Lfunc_end1:
_tile_overlayer_lowered:
.L_overlay_start_2:
0x52: {  	(tag) =	ssettag $0x2  }
0x53: {  	s0 =	rddreg [dreg:$0x0];
	s2 =	stileid.u32  }
0x54: {  	s1 =	rddreg [dreg:$0x1];
	p0 =	sne.s32 s2, $0x0  }
0x55: {  	s3 =	rddreg [dreg:$0x2];
	[bflag:$0x3] =	sbarrier.arrive $0xFFFF;
	s2 =	simm.s32 @!p0 $0x1C01  }
0x56: {  	[timem:s3], [sflag:s2] =	dma.local @!p0 [hbm:s0], s1  }
0x57: {  	s0 =	simm.s32 @!p0 $0x1  }
0x58: {  	_ =	swait.ge @!p0 [sflag:s0], s1  }
0x59: {  	s1 =	ssub.s32 @!p0 $0x0, s1;
	[sflag:s0] =	ssyncset.done @!p0 $0x0  }
0x5a: {  	[sflag:s0] =	ssyncadd.s32 @!p0 s1  }
0x5b: {  	[bflag:$0x3] =	sbarrier.arrive $0xFFFF  }
0x5c: {  	_ =	shalt  }

</sc_bundles>
